<compile_context>
chip_gen: v7x
topology: tpu7x:2x2x1
jax: 0.10.2.dev20260603
libtpu: 0.0.44.dev20260713+nightly
codegen_flags: <defaults>
</compile_context>

<pallas_src>
import functools
import math

import numpy as np
import jax
import jax.numpy as jnp
from jax import lax
from jax.experimental import pallas as pl
from jax.experimental.pallas import tpu as pltpu
from jax.experimental.pallas import tpu_sc as plsc

ALPHA, BETA, GAMMA = 1.9, 3.8, 15.2
B, H, L, D = 8, 12, 576, 64
K = 49
KP = 64
BH = B * H

NC, NS = 2, 16
NW = NC * NS
BH_G = 4
I_G = NW // BH_G
BH_PER = BH // BH_G
I_PER = L // I_G
CH = 24
I_CHUNKS = I_PER // CH
LANES = 16
JV = L // LANES
PAIRS = BH_PER // 2


def _piecewise_index_np(rp, alpha, beta, gamma):
    rp = np.asarray(rp, dtype=np.float64)
    rp_abs = np.abs(rp)
    mask = rp_abs <= alpha
    safe = np.maximum(rp_abs, 1e-12)
    y = np.sign(rp) * np.minimum(
        np.round(alpha + np.log(safe / alpha) / math.log(gamma / alpha) * (beta - alpha)),
        beta,
    )
    idx = np.round(rp).astype(np.int64)
    idx[~mask] = y[~mask].astype(np.int64)
    return idx


def _bucket_ids_product(height, width, alpha, beta, gamma):
    rows = np.arange(height).reshape(height, 1).repeat(width, axis=1)
    cols = np.arange(width).reshape(1, width).repeat(height, axis=0)
    pos = np.stack([rows, cols], axis=2).reshape(-1, 2)
    diff = pos[:, None, :] - pos[None, :, :]
    beta_int = int(beta)
    S = 2 * beta_int + 1
    r = _piecewise_index_np(diff[:, :, 0], alpha, beta, gamma) + beta_int
    c = _piecewise_index_np(diff[:, :, 1], alpha, beta, gamma) + beta_int
    return (r * S + c).astype(np.int32)


_BUCKET_BASE = _bucket_ids_product(24, 24, ALPHA, BETA, GAMMA)
_BID2 = (_BUCKET_BASE + (np.arange(L) % CH)[:, None].astype(np.int32) * KP).reshape(-1)


def _mm_body(x_ref, w_ref, o_ref):
    xm = x_ref[:, 0].reshape(B * L, D)
    o = jnp.dot(xm, w_ref[0], preferred_element_type=jnp.float32)
    o_ref[:, 0] = o.reshape(B, L, KP)


def _tc_einsum(x, w_pad):
    return pl.pallas_call(
        _mm_body,
        grid=(H,),
        in_specs=[
            pl.BlockSpec((B, 1, L, D), lambda h: (0, h, 0, 0)),
            pl.BlockSpec((1, D, KP), lambda h: (h, 0, 0)),
        ],
        out_specs=pl.BlockSpec((B, 1, L, KP), lambda h: (0, h, 0, 0)),
        out_shape=jax.ShapeDtypeStruct((B, H, L, KP), jnp.float32),
    )(x, w_pad)


def _sc_body(lt_ref, bid_ref, out_ref,
             idx_v, lt0_v, lt1_v, out0_v, out1_v,
             sem_l0, sem_l1, sem_o0, sem_o1):
    c = lax.axis_index("c")
    s = lax.axis_index("s")
    wid = s * NC + c
    bh0 = (wid % BH_G) * BH_PER
    i0 = (wid // BH_G) * I_PER

    def out_dst(b, ibase):
        return out_ref.at[b // H, b % H, pl.ds(ibase, CH)]

    def gather_rows(lt_v, out_v):
        @plsc.parallel_loop(0, CH, unroll=1)
        def _(il):
            ibase_v = il * L

            @plsc.parallel_loop(0, JV, unroll=9)
            def _(jw):
                fidx = idx_v[pl.ds(ibase_v + jw * LANES, LANES)]
                out_v[il, pl.ds(jw * LANES, LANES)] = plsc.load_gather(
                    lt_v, [fidx]
                )

    def chunk_body(ci, carry):
        ibase = i0 + ci * CH
        pltpu.sync_copy(bid_ref.at[pl.ds(ibase * L, CH * L)], idx_v)
        pltpu.async_copy(
            lt_ref.at[bh0, pl.ds(ibase * KP, CH * KP)], lt0_v, sem_l0
        )

        def pair_body(t, carry2):
            b0 = bh0 + 2 * t
            b1 = b0 + 1
            not_first = jnp.logical_or(ci > 0, t > 0)

            def half(b_cur, b_next, lt_cur, lt_next, sem_cur, sem_next,
                     out_v, sem_o, do_prefetch):
                pltpu.make_async_copy(
                    lt_ref.at[b_cur, pl.ds(ibase * KP, CH * KP)],
                    lt_cur, sem_cur,
                ).wait()

                @pl.when(do_prefetch)
                def _():
                    pltpu.async_copy(
                        lt_ref.at[b_next, pl.ds(ibase * KP, CH * KP)],
                        lt_next, sem_next,
                    )

                gather_rows(lt_cur, out_v)
                pltpu.async_copy(
                    out_v, out_dst(b_cur, ibase), sem_o
                )

            @pl.when(not_first)
            def _():
                pltpu.make_async_copy(
                    out0_v, out_dst(b0, ibase), sem_o0
                ).wait()
            half(b0, b1, lt0_v, lt1_v, sem_l0, sem_l1, out0_v, sem_o0,
                 do_prefetch=True)

            @pl.when(not_first)
            def _():
                pltpu.make_async_copy(
                    out1_v, out_dst(b1, ibase), sem_o1
                ).wait()
            half(b1, bh0 + 2 * t + 2, lt1_v, lt0_v, sem_l1, sem_l0,
                 out1_v, sem_o1, do_prefetch=t < PAIRS - 1)
            return carry2

        lax.fori_loop(0, PAIRS, pair_body, 0)
        return carry

    lax.fori_loop(0, I_CHUNKS, chunk_body, 0)
    pltpu.make_async_copy(out0_v, out_dst(bh0, i0), sem_o0).wait()
    pltpu.make_async_copy(out1_v, out_dst(bh0, i0), sem_o1).wait()


_sc_gather = functools.partial(
    pl.kernel,
    out_type=jax.ShapeDtypeStruct((B, H, L, L), jnp.float32),
    mesh=plsc.VectorSubcoreMesh(core_axis_name="c", subcore_axis_name="s"),
    compiler_params=pltpu.CompilerParams(needs_layout_passes=False),
    scratch_types=[
        pltpu.VMEM((CH * L,), jnp.int32),
        pltpu.VMEM((CH * KP,), jnp.float32),
        pltpu.VMEM((CH * KP,), jnp.float32),
        pltpu.VMEM((CH, L), jnp.float32),
        pltpu.VMEM((CH, L), jnp.float32),
        pltpu.SemaphoreType.DMA,
        pltpu.SemaphoreType.DMA,
        pltpu.SemaphoreType.DMA,
        pltpu.SemaphoreType.DMA,
    ],
)(_sc_body)


def kernel(x, lookup_table_weight, height, width):
    w_pad = jnp.pad(lookup_table_weight, ((0, 0), (0, 0), (0, KP - K)))
    lt = _tc_einsum(x, w_pad)
    offset = (height - 24) + (width - 24)
    bid = jnp.asarray(_BID2) + jnp.asarray(offset, jnp.int32)
    return _sc_gather(lt.reshape(BH, L * KP), bid)

# --- scband reference (transcript-rebuilt; emitter-appended) ---
"""Pipeline reference for scband-rpe2-d-59304908423744 (READ-ONLY COPY).

The authoritative reference and input builder live on the scoring server;
editing this copy changes nothing except your own understanding.
"""

import math
import jax, jax.numpy as jnp
import numpy as np

ALPHA, BETA, GAMMA = 1.9, 3.8, 15.2


def _piecewise_index_np(rp, alpha, beta, gamma):
    rp = np.asarray(rp, dtype=np.float64)
    rp_abs = np.abs(rp)
    mask = rp_abs <= alpha
    safe = np.maximum(rp_abs, 1e-12)
    y = np.sign(rp) * np.minimum(
        np.round(alpha + np.log(safe / alpha) / math.log(gamma / alpha) * (beta - alpha)),
        beta,
    )
    idx = np.round(rp).astype(np.int64)
    idx[~mask] = y[~mask].astype(np.int64)
    return idx


def _bucket_ids_product(height, width, alpha, beta, gamma):
    # 2D RPE, PRODUCT method (METHOD.PRODUCT == 3), skip=0
    rows = np.arange(height).reshape(height, 1).repeat(width, axis=1)
    cols = np.arange(width).reshape(1, width).repeat(height, axis=0)
    pos = np.stack([rows, cols], axis=2).reshape(-1, 2)
    diff = pos[:, None, :] - pos[None, :, :]  # (L, L, 2)
    beta_int = int(beta)
    S = 2 * beta_int + 1
    r = _piecewise_index_np(diff[:, :, 0], alpha, beta, gamma) + beta_int
    c = _piecewise_index_np(diff[:, :, 1], alpha, beta, gamma) + beta_int
    return (r * S + c).astype(np.int64)  # (L, L), values in [0, S*S)


def setup_inputs(seed: int = 0) -> dict:
    key = jax.random.key(seed)
    k1, k2 = jax.random.split(key)
    B, H, L, D = 8, 12, 576, 64
    num_buckets = (2 * int(BETA) + 1) ** 2  # 49
    x = jax.random.normal(k1, (B, H, L, D), dtype=jnp.float32)
    lookup_table_weight = jax.random.normal(k2, (H, D, num_buckets), dtype=jnp.float32) * 0.02
    return {"x": x, "lookup_table_weight": lookup_table_weight, "height": 24, "width": 24}


def reference(x, lookup_table_weight, height, width):
    # contextual + transposed RPE (query-side): project q onto per-bucket keys,
    # then gather per relative-position bucket id -> attention bias (B, H, L, L)
    static_height, static_width = 24, 24
    bucket_ids = jnp.asarray(
        _bucket_ids_product(static_height, static_width, ALPHA, BETA, GAMMA)
    )
    bucket_ids = bucket_ids + (height - static_height) + (width - static_width)
    # (B, H, L, D) x (H, D, K) -> (B, H, L, K)
    lookup_table = jnp.einsum("bhld,hdk->bhlk", x, lookup_table_weight)
    # gather along bucket axis: out[b,h,i,j] = lookup_table[b,h,i,bucket_ids[i,j]]
    out = jnp.take_along_axis(lookup_table, bucket_ids[None, None, :, :], axis=3)
    return out

if __name__ == "__main__":
    import jax
    _d = setup_inputs()
    print(jax.jit(kernel)(*tuple(_d.values())))

</pallas_src>

<mosaic_0001>
#map = affine_map<(d0, d1) -> (0, 0)>
#map1 = affine_map<(d0, d1) -> (0)>
#map2 = affine_map<(d0, d1) -> (0, 0, 0, 0)>
module attributes {stable_mosaic.version = 14 : i64} {
  func.func @_sc_body(%arg0: i32, %arg1: i32, %arg2: memref<96x36864xf32, #tpu.memory_space<hbm>>, %arg3: memref<331776xi32, #tpu.memory_space<hbm>>, %arg4: memref<8x12x576x576xf32, #tpu.memory_space<hbm>>, %arg5: memref<13824xi32, #tpu.memory_space<vmem>>, %arg6: memref<1536xf32, #tpu.memory_space<vmem>>, %arg7: memref<1536xf32, #tpu.memory_space<vmem>>, %arg8: memref<24x576xf32, #tpu.memory_space<vmem>>, %arg9: memref<24x576xf32, #tpu.memory_space<vmem>>, %arg10: memref<!tpu.dma_semaphore, #tpu.memory_space<semaphore_mem>>, %arg11: memref<!tpu.dma_semaphore, #tpu.memory_space<semaphore_mem>>, %arg12: memref<!tpu.dma_semaphore, #tpu.memory_space<semaphore_mem>>, %arg13: memref<!tpu.dma_semaphore, #tpu.memory_space<semaphore_mem>>) attributes {dimension_semantics = [#tpu.dimension_semantics<core_parallel>, #tpu.dimension_semantics<subcore_parallel>], iteration_bounds = array<i64: 2, 16>, scalar_prefetch = 0 : i64, scratch_operands = 9 : i64, tpu.core_type = #tpu.core_type<sc_vector_subcore>, window_params = [{transform_indices = #map}, {transform_indices = #map1}, {transform_indices = #map2}]} {
    %mul3A = arith.constant 2 : i32
    %mul3A_0 = arith.muli %arg1, %mul3A : i32
    %add3A = arith.addi %mul3A_0, %arg0 : i32
    %jit3A = arith.constant 4 : i32
    %eq3A = arith.constant 0 : i32
    %eq3A_1 = arith.cmpi eq, %jit3A, %eq3A : i32
    %jit3A_2 = arith.constant 1 : i32
    %select_n3A = arith.select %eq3A_1, %jit3A_2, %jit3A : i32
    %rem3A = arith.remsi %add3A, %select_n3A : i32
    %ne3A = arith.constant 0 : i32
    %ne3A_3 = arith.cmpi ne, %rem3A, %ne3A : i32
    %lt3A = arith.constant 0 : i32
    %lt3A_4 = arith.cmpi slt, %rem3A, %lt3A : i32
    %lt3A_5 = arith.constant 0 : i32
    %lt3A_6 = arith.cmpi slt, %select_n3A, %lt3A_5 : i32
    %ne3A_7 = arith.xori %lt3A_4, %lt3A_6 : i1
    %and3A = arith.andi %ne3A_7, %ne3A_3 : i1
    %add3A_8 = arith.addi %rem3A, %select_n3A : i32
    %select_n3A_9 = arith.select %and3A, %add3A_8, %rem3A : i32
    %mul3A_10 = arith.constant 24 : i32
    %mul3A_11 = arith.muli %select_n3A_9, %mul3A_10 : i32
    %jit3A_12 = arith.constant 4 : i32
    %div3A = arith.divsi %add3A, %jit3A_12 : i32
    %sign3A = arith.constant 0 : i32
    %sign3A_13 = arith.cmpi sgt, %add3A, %sign3A : i32
    %sign3A_14 = arith.extui %sign3A_13 : i1 to i32
    %sign3A_15 = arith.constant 0 : i32
    %sign3A_16 = arith.cmpi slt, %add3A, %sign3A_15 : i32
    %sign3A_17 = arith.extui %sign3A_16 : i1 to i32
    %sign3A_18 = arith.subi %sign3A_14, %sign3A_17 : i32
    %sign3A_19 = arith.constant 0 : i32
    %sign3A_20 = arith.cmpi sgt, %jit3A_12, %sign3A_19 : i32
    %sign3A_21 = arith.extui %sign3A_20 : i1 to i32
    %sign3A_22 = arith.constant 0 : i32
    %sign3A_23 = arith.cmpi slt, %jit3A_12, %sign3A_22 : i32
    %sign3A_24 = arith.extui %sign3A_23 : i1 to i32
    %sign3A_25 = arith.subi %sign3A_21, %sign3A_24 : i32
    %ne3A_26 = arith.cmpi ne, %sign3A_18, %sign3A_25 : i32
    %rem3A_27 = arith.remsi %add3A, %jit3A_12 : i32
    %ne3A_28 = arith.constant 0 : i32
    %ne3A_29 = arith.cmpi ne, %rem3A_27, %ne3A_28 : i32
    %and3A_30 = arith.andi %ne3A_26, %ne3A_29 : i1
    %sub3A = arith.constant 1 : i32
    %sub3A_31 = arith.subi %div3A, %sub3A : i32
    %select_n3A_32 = arith.select %and3A_30, %sub3A_31, %div3A : i32
    %mul3A_33 = arith.constant 72 : i32
    %mul3A_34 = arith.muli %select_n3A_32, %mul3A_33 : i32
    %scan3A = arith.constant 0 : i32
    %scan3A_35 = arith.constant 0 : i32
    %scan3A_36 = arith.constant 3 : i32
    %scan3A_37 = arith.addi %scan3A_35, %scan3A_36 : i32
    %scan3A_38 = arith.constant 1 : i32
    scf.for %scan3A_131 = %scan3A_35 to %scan3A_37 step %scan3A_38  : i32 {
      %mul3A_132 = arith.constant 24 : i32
      %mul3A_133 = arith.muli %scan3A_131, %mul3A_132 : i32
      %add3A_134 = arith.addi %mul3A_34, %mul3A_133 : i32
      %mul3A_135 = arith.constant 576 : i32
      %mul3A_136 = arith.muli %add3A_134, %mul3A_135 : i32
      "tpu.region"() ({
        %run_scoped3A = tpu.sem_alloc : memref<!tpu.dma_semaphore, #tpu.memory_space<semaphore_mem>>
        %dma_start3A_148 = tpu.memref_slice %arg3[%mul3A_136] : memref<331776xi32, #tpu.memory_space<hbm>> -> memref<13824xi32, #tpu.memory_space<hbm>>
        %dma_start3A_149 = tpu.memref_slice %arg3[%mul3A_136] : memref<331776xi32, #tpu.memory_space<hbm>> -> memref<13824xi32, #tpu.memory_space<hbm>>
        tpu.enqueue_dma source(%dma_start3A_149 : memref<13824xi32, #tpu.memory_space<hbm>>) target(%arg5 : memref<13824xi32, #tpu.memory_space<vmem>>) target_semaphore(%run_scoped3A : memref<!tpu.dma_semaphore, #tpu.memory_space<semaphore_mem>>)
        %dma_wait3A_150 = tpu.memref_slice %arg3[%mul3A_136] : memref<331776xi32, #tpu.memory_space<hbm>> -> memref<13824xi32, #tpu.memory_space<hbm>>
        %dma_wait3A_151 = tpu.memref_slice %arg3[%mul3A_136] : memref<331776xi32, #tpu.memory_space<hbm>> -> memref<13824xi32, #tpu.memory_space<hbm>>
        tpu.wait_dma2 semaphore(%run_scoped3A : memref<!tpu.dma_semaphore, #tpu.memory_space<semaphore_mem>>) src(%dma_wait3A_151 : memref<13824xi32, #tpu.memory_space<hbm>>) dst(%arg5 : memref<13824xi32, #tpu.memory_space<vmem>>)
        tpu.yield
      }) : () -> ()
      %mul3A_137 = arith.constant 64 : i32
      %mul3A_138 = arith.muli %add3A_134, %mul3A_137 : i32
      %dma_start3A = tpu.memref_slice %arg2[%mul3A_11, %mul3A_138] : memref<96x36864xf32, #tpu.memory_space<hbm>> -> memref<1x1536xf32, #tpu.memory_space<hbm>>
      %dma_start3A_139 = tpu.memref_squeeze %dma_start3A : memref<1x1536xf32, #tpu.memory_space<hbm>> -> memref<1536xf32, #tpu.memory_space<hbm>>
      %dma_start3A_140 = tpu.memref_slice %arg2[%mul3A_11, %mul3A_138] : memref<96x36864xf32, #tpu.memory_space<hbm>> -> memref<1x1536xf32, #tpu.memory_space<hbm>>
      %dma_start3A_141 = tpu.memref_squeeze %dma_start3A_140 : memref<1x1536xf32, #tpu.memory_space<hbm>> -> memref<1536xf32, #tpu.memory_space<hbm>>
      tpu.enqueue_dma source(%dma_start3A_141 : memref<1536xf32, #tpu.memory_space<hbm>>) target(%arg6 : memref<1536xf32, #tpu.memory_space<vmem>>) target_semaphore(%arg10 : memref<!tpu.dma_semaphore, #tpu.memory_space<semaphore_mem>>)
      %scan3A_142 = arith.constant 0 : i32
      %scan3A_143 = arith.constant 0 : i32
      %scan3A_144 = arith.constant 12 : i32
      %scan3A_145 = arith.addi %scan3A_143, %scan3A_144 : i32
      %scan3A_146 = arith.constant 1 : i32
      scf.for %scan3A_148 = %scan3A_143 to %scan3A_145 step %scan3A_146  : i32 {
        %mul3A_149 = arith.constant 2 : i32
        %mul3A_150 = arith.muli %mul3A_149, %scan3A_148 : i32
        %add3A_151 = arith.addi %mul3A_11, %mul3A_150 : i32
        %add3A_152 = arith.constant 1 : i32
        %add3A_153 = arith.addi %add3A_151, %add3A_152 : i32
        %gt3A = arith.constant 0 : i32
        %gt3A_154 = arith.cmpi sgt, %scan3A_131, %gt3A : i32
        %gt3A_155 = arith.constant 0 : i32
        %gt3A_156 = arith.cmpi sgt, %scan3A_148, %gt3A_155 : i32
        %or3A = arith.ori %gt3A_154, %gt3A_156 : i1
        %convert_element_type3A = arith.extui %or3A : i1 to i32
        %cond3A = arith.constant 0 : i32
        %cond3A_157 = arith.cmpi ne, %convert_element_type3A, %cond3A : i32
        scf.if %cond3A_157 {
          %jit3A_286 = arith.constant 12 : i32
          %div3A_287 = arith.divsi %add3A_151, %jit3A_286 : i32
          %sign3A_288 = arith.constant 0 : i32
          %sign3A_289 = arith.cmpi sgt, %add3A_151, %sign3A_288 : i32
          %sign3A_290 = arith.extui %sign3A_289 : i1 to i32
          %sign3A_291 = arith.constant 0 : i32
          %sign3A_292 = arith.cmpi slt, %add3A_151, %sign3A_291 : i32
          %sign3A_293 = arith.extui %sign3A_292 : i1 to i32
          %sign3A_294 = arith.subi %sign3A_290, %sign3A_293 : i32
          %sign3A_295 = arith.constant 0 : i32
          %sign3A_296 = arith.cmpi sgt, %jit3A_286, %sign3A_295 : i32
          %sign3A_297 = arith.extui %sign3A_296 : i1 to i32
          %sign3A_298 = arith.constant 0 : i32
          %sign3A_299 = arith.cmpi slt, %jit3A_286, %sign3A_298 : i32
          %sign3A_300 = arith.extui %sign3A_299 : i1 to i32
          %sign3A_301 = arith.subi %sign3A_297, %sign3A_300 : i32
          %ne3A_302 = arith.cmpi ne, %sign3A_294, %sign3A_301 : i32
          %rem3A_303 = arith.remsi %add3A_151, %jit3A_286 : i32
          %ne3A_304 = arith.constant 0 : i32
          %ne3A_305 = arith.cmpi ne, %rem3A_303, %ne3A_304 : i32
          %and3A_306 = arith.andi %ne3A_302, %ne3A_305 : i1
          %sub3A_307 = arith.constant 1 : i32
          %sub3A_308 = arith.subi %div3A_287, %sub3A_307 : i32
          %select_n3A_309 = arith.select %and3A_306, %sub3A_308, %div3A_287 : i32
          %jit3A_310 = arith.constant 12 : i32
          %eq3A_311 = arith.constant 0 : i32
          %eq3A_312 = arith.cmpi eq, %jit3A_310, %eq3A_311 : i32
          %jit3A_313 = arith.constant 1 : i32
          %select_n3A_314 = arith.select %eq3A_312, %jit3A_313, %jit3A_310 : i32
          %rem3A_315 = arith.remsi %add3A_151, %select_n3A_314 : i32
          %ne3A_316 = arith.constant 0 : i32
          %ne3A_317 = arith.cmpi ne, %rem3A_315, %ne3A_316 : i32
          %lt3A_318 = arith.constant 0 : i32
          %lt3A_319 = arith.cmpi slt, %rem3A_315, %lt3A_318 : i32
          %lt3A_320 = arith.constant 0 : i32
          %lt3A_321 = arith.cmpi slt, %select_n3A_314, %lt3A_320 : i32
          %ne3A_322 = arith.xori %lt3A_319, %lt3A_321 : i1
          %and3A_323 = arith.andi %ne3A_322, %ne3A_317 : i1
          %add3A_324 = arith.addi %rem3A_315, %select_n3A_314 : i32
          %select_n3A_325 = arith.select %and3A_323, %add3A_324, %rem3A_315 : i32
          %dma_wait3A_326 = arith.constant 0 : i32
          %dma_wait3A_327 = tpu.memref_slice %arg4[%select_n3A_309, %select_n3A_325, %add3A_134, %dma_wait3A_326] : memref<8x12x576x576xf32, #tpu.memory_space<hbm>> -> memref<1x1x24x576xf32, #tpu.memory_space<hbm>>
          %dma_wait3A_328 = tpu.memref_squeeze %dma_wait3A_327 : memref<1x1x24x576xf32, #tpu.memory_space<hbm>> -> memref<24x576xf32, #tpu.memory_space<hbm>>
          %dma_wait3A_329 = arith.constant 0 : i32
          %dma_wait3A_330 = tpu.memref_slice %arg4[%select_n3A_309, %select_n3A_325, %add3A_134, %dma_wait3A_329] : memref<8x12x576x576xf32, #tpu.memory_space<hbm>> -> memref<1x1x24x576xf32, #tpu.memory_space<hbm>>
          %dma_wait3A_331 = tpu.memref_squeeze %dma_wait3A_330 : memref<1x1x24x576xf32, #tpu.memory_space<hbm>> -> memref<24x576xf32, #tpu.memory_space<hbm>>
          tpu.wait_dma2 semaphore(%arg12 : memref<!tpu.dma_semaphore, #tpu.memory_space<semaphore_mem>>) src(%arg8 : memref<24x576xf32, #tpu.memory_space<vmem>>) dst(%dma_wait3A_331 : memref<24x576xf32, #tpu.memory_space<hbm>>)
        } else {
        }
        %mul3A_158 = arith.constant 64 : i32
        %mul3A_159 = arith.muli %add3A_134, %mul3A_158 : i32
        %dma_wait3A_160 = tpu.memref_slice %arg2[%add3A_151, %mul3A_159] : memref<96x36864xf32, #tpu.memory_space<hbm>> -> memref<1x1536xf32, #tpu.memory_space<hbm>>
        %dma_wait3A_161 = tpu.memref_squeeze %dma_wait3A_160 : memref<1x1536xf32, #tpu.memory_space<hbm>> -> memref<1536xf32, #tpu.memory_space<hbm>>
        %dma_wait3A_162 = tpu.memref_slice %arg2[%add3A_151, %mul3A_159] : memref<96x36864xf32, #tpu.memory_space<hbm>> -> memref<1x1536xf32, #tpu.memory_space<hbm>>
        %dma_wait3A_163 = tpu.memref_squeeze %dma_wait3A_162 : memref<1x1536xf32, #tpu.memory_space<hbm>> -> memref<1536xf32, #tpu.memory_space<hbm>>
        tpu.wait_dma2 semaphore(%arg10 : memref<!tpu.dma_semaphore, #tpu.memory_space<semaphore_mem>>) src(%dma_wait3A_163 : memref<1536xf32, #tpu.memory_space<hbm>>) dst(%arg6 : memref<1536xf32, #tpu.memory_space<vmem>>)
        %mul3A_164 = arith.constant 64 : i32
        %mul3A_165 = arith.muli %add3A_134, %mul3A_164 : i32
        %dma_start3A_166 = tpu.memref_slice %arg2[%add3A_153, %mul3A_165] : memref<96x36864xf32, #tpu.memory_space<hbm>> -> memref<1x1536xf32, #tpu.memory_space<hbm>>
        %dma_start3A_167 = tpu.memref_squeeze %dma_start3A_166 : memref<1x1536xf32, #tpu.memory_space<hbm>> -> memref<1536xf32, #tpu.memory_space<hbm>>
        %dma_start3A_168 = tpu.memref_slice %arg2[%add3A_153, %mul3A_165] : memref<96x36864xf32, #tpu.memory_space<hbm>> -> memref<1x1536xf32, #tpu.memory_space<hbm>>
        %dma_start3A_169 = tpu.memref_squeeze %dma_start3A_168 : memref<1x1536xf32, #tpu.memory_space<hbm>> -> memref<1536xf32, #tpu.memory_space<hbm>>
        tpu.enqueue_dma source(%dma_start3A_169 : memref<1536xf32, #tpu.memory_space<hbm>>) target(%arg7 : memref<1536xf32, #tpu.memory_space<vmem>>) target_semaphore(%arg11 : memref<!tpu.dma_semaphore, #tpu.memory_space<semaphore_mem>>)
        %parallel_loop3A = arith.constant 0 : i32
        %parallel_loop3A_170 = arith.constant 24 : i32
        %parallel_loop3A_171 = arith.constant 1 : i32
        scf.for %parallel_loop3A_286 = %parallel_loop3A to %parallel_loop3A_170 step %parallel_loop3A_171  : i32 {
          %parallel_loop3A_287 = arith.constant 576 : i32
          %parallel_loop3A_288 = arith.muli %parallel_loop3A_286, %parallel_loop3A_287 : i32
          %parallel_loop3A_289 = arith.constant 0 : i32
          %parallel_loop3A_290 = arith.constant 36 : i32
          %parallel_loop3A_291 = arith.constant 1 : i32
          scf.for %parallel_loop3A_292 = %parallel_loop3A_289 to %parallel_loop3A_290 step %parallel_loop3A_291  : i32 {
            %parallel_loop3A_293 = arith.constant 16 : i32
            %parallel_loop3A_294 = arith.muli %parallel_loop3A_292, %parallel_loop3A_293 : i32
            %parallel_loop3A_295 = arith.addi %parallel_loop3A_288, %parallel_loop3A_294 : i32
            %parallel_loop3A_296 = arith.index_cast %parallel_loop3A_295 : i32 to index
            %parallel_loop3A_297 = tpu.vector_load %arg5[%parallel_loop3A_296] {strides = array<i32>} : memref<13824xi32, #tpu.memory_space<vmem>>, vector<16xi32>,
            %parallel_loop3A_298 = tpu.vector_load_idx %arg6[%parallel_loop3A_297] : memref<1536xf32, #tpu.memory_space<vmem>>[vector<16xi32>], vector<16xf32>,
            %parallel_loop3A_299 = arith.constant 16 : i32
            %parallel_loop3A_300 = arith.muli %parallel_loop3A_292, %parallel_loop3A_299 : i32
            %parallel_loop3A_301 = arith.index_cast %parallel_loop3A_286 : i32 to index
            %parallel_loop3A_302 = arith.index_cast %parallel_loop3A_300 : i32 to index
            %parallel_loop3A_303 = tpu.vector_load %arg8[%parallel_loop3A_301, %parallel_loop3A_302] {strides = array<i32>} : memref<24x576xf32, #tpu.memory_space<vmem>>, vector<16xf32>,
            tpu.vector_store %arg8[%parallel_loop3A_301, %parallel_loop3A_302], %parallel_loop3A_298 {strides = array<i32>} : memref<24x576xf32, #tpu.memory_space<vmem>>, vector<16xf32>,
          } {sc.loop_unroll_factor = 9 : i64, sc.parallel_access}
        } {sc.loop_unroll_factor = 1 : i64, sc.parallel_access}
        %jit3A_172 = arith.constant 12 : i32
        %div3A_173 = arith.divsi %add3A_151, %jit3A_172 : i32
        %sign3A_174 = arith.constant 0 : i32
        %sign3A_175 = arith.cmpi sgt, %add3A_151, %sign3A_174 : i32
        %sign3A_176 = arith.extui %sign3A_175 : i1 to i32
        %sign3A_177 = arith.constant 0 : i32
        %sign3A_178 = arith.cmpi slt, %add3A_151, %sign3A_177 : i32
        %sign3A_179 = arith.extui %sign3A_178 : i1 to i32
        %sign3A_180 = arith.subi %sign3A_176, %sign3A_179 : i32
        %sign3A_181 = arith.constant 0 : i32
        %sign3A_182 = arith.cmpi sgt, %jit3A_172, %sign3A_181 : i32
        %sign3A_183 = arith.extui %sign3A_182 : i1 to i32
        %sign3A_184 = arith.constant 0 : i32
        %sign3A_185 = arith.cmpi slt, %jit3A_172, %sign3A_184 : i32
        %sign3A_186 = arith.extui %sign3A_185 : i1 to i32
        %sign3A_187 = arith.subi %sign3A_183, %sign3A_186 : i32
        %ne3A_188 = arith.cmpi ne, %sign3A_180, %sign3A_187 : i32
        %rem3A_189 = arith.remsi %add3A_151, %jit3A_172 : i32
        %ne3A_190 = arith.constant 0 : i32
        %ne3A_191 = arith.cmpi ne, %rem3A_189, %ne3A_190 : i32
        %and3A_192 = arith.andi %ne3A_188, %ne3A_191 : i1
        %sub3A_193 = arith.constant 1 : i32
        %sub3A_194 = arith.subi %div3A_173, %sub3A_193 : i32
        %select_n3A_195 = arith.select %and3A_192, %sub3A_194, %div3A_173 : i32
        %jit3A_196 = arith.constant 12 : i32
        %eq3A_197 = arith.constant 0 : i32
        %eq3A_198 = arith.cmpi eq, %jit3A_196, %eq3A_197 : i32
        %jit3A_199 = arith.constant 1 : i32
        %select_n3A_200 = arith.select %eq3A_198, %jit3A_199, %jit3A_196 : i32
        %rem3A_201 = arith.remsi %add3A_151, %select_n3A_200 : i32
        %ne3A_202 = arith.constant 0 : i32
        %ne3A_203 = arith.cmpi ne, %rem3A_201, %ne3A_202 : i32
        %lt3A_204 = arith.constant 0 : i32
        %lt3A_205 = arith.cmpi slt, %rem3A_201, %lt3A_204 : i32
        %lt3A_206 = arith.constant 0 : i32
        %lt3A_207 = arith.cmpi slt, %select_n3A_200, %lt3A_206 : i32
        %ne3A_208 = arith.xori %lt3A_205, %lt3A_207 : i1
        %and3A_209 = arith.andi %ne3A_208, %ne3A_203 : i1
        %add3A_210 = arith.addi %rem3A_201, %select_n3A_200 : i32
        %select_n3A_211 = arith.select %and3A_209, %add3A_210, %rem3A_201 : i32
        %dma_start3A_212 = arith.constant 0 : i32
        %dma_start3A_213 = tpu.memref_slice %arg4[%select_n3A_195, %select_n3A_211, %add3A_134, %dma_start3A_212] : memref<8x12x576x576xf32, #tpu.memory_space<hbm>> -> memref<1x1x24x576xf32, #tpu.memory_space<hbm>>
        %dma_start3A_214 = tpu.memref_squeeze %dma_start3A_213 : memref<1x1x24x576xf32, #tpu.memory_space<hbm>> -> memref<24x576xf32, #tpu.memory_space<hbm>>
        %dma_start3A_215 = arith.constant 0 : i32
        %dma_start3A_216 = tpu.memref_slice %arg4[%select_n3A_195, %select_n3A_211, %add3A_134, %dma_start3A_215] : memref<8x12x576x576xf32, #tpu.memory_space<hbm>> -> memref<1x1x24x576xf32, #tpu.memory_space<hbm>>
        %dma_start3A_217 = tpu.memref_squeeze %dma_start3A_216 : memref<1x1x24x576xf32, #tpu.memory_space<hbm>> -> memref<24x576xf32, #tpu.memory_space<hbm>>
        tpu.enqueue_dma source(%arg8 : memref<24x576xf32, #tpu.memory_space<vmem>>) target(%dma_start3A_217 : memref<24x576xf32, #tpu.memory_space<hbm>>) target_semaphore(%arg12 : memref<!tpu.dma_semaphore, #tpu.memory_space<semaphore_mem>>)
        %convert_element_type3A_218 = arith.extui %or3A : i1 to i32
        %cond3A_219 = arith.constant 0 : i32
        %cond3A_220 = arith.cmpi ne, %convert_element_type3A_218, %cond3A_219 : i32
        scf.if %cond3A_220 {
          %jit3A_286 = arith.constant 12 : i32
          %div3A_287 = arith.divsi %add3A_153, %jit3A_286 : i32
          %sign3A_288 = arith.constant 0 : i32
          %sign3A_289 = arith.cmpi sgt, %add3A_153, %sign3A_288 : i32
          %sign3A_290 = arith.extui %sign3A_289 : i1 to i32
          %sign3A_291 = arith.constant 0 : i32
          %sign3A_292 = arith.cmpi slt, %add3A_153, %sign3A_291 : i32
          %sign3A_293 = arith.extui %sign3A_292 : i1 to i32
          %sign3A_294 = arith.subi %sign3A_290, %sign3A_293 : i32
          %sign3A_295 = arith.constant 0 : i32
          %sign3A_296 = arith.cmpi sgt, %jit3A_286, %sign3A_295 : i32
          %sign3A_297 = arith.extui %sign3A_296 : i1 to i32
          %sign3A_298 = arith.constant 0 : i32
          %sign3A_299 = arith.cmpi slt, %jit3A_286, %sign3A_298 : i32
          %sign3A_300 = arith.extui %sign3A_299 : i1 to i32
          %sign3A_301 = arith.subi %sign3A_297, %sign3A_300 : i32
          %ne3A_302 = arith.cmpi ne, %sign3A_294, %sign3A_301 : i32
          %rem3A_303 = arith.remsi %add3A_153, %jit3A_286 : i32
          %ne3A_304 = arith.constant 0 : i32
          %ne3A_305 = arith.cmpi ne, %rem3A_303, %ne3A_304 : i32
          %and3A_306 = arith.andi %ne3A_302, %ne3A_305 : i1
          %sub3A_307 = arith.constant 1 : i32
          %sub3A_308 = arith.subi %div3A_287, %sub3A_307 : i32
          %select_n3A_309 = arith.select %and3A_306, %sub3A_308, %div3A_287 : i32
          %jit3A_310 = arith.constant 12 : i32
          %eq3A_311 = arith.constant 0 : i32
          %eq3A_312 = arith.cmpi eq, %jit3A_310, %eq3A_311 : i32
          %jit3A_313 = arith.constant 1 : i32
          %select_n3A_314 = arith.select %eq3A_312, %jit3A_313, %jit3A_310 : i32
          %rem3A_315 = arith.remsi %add3A_153, %select_n3A_314 : i32
          %ne3A_316 = arith.constant 0 : i32
          %ne3A_317 = arith.cmpi ne, %rem3A_315, %ne3A_316 : i32
          %lt3A_318 = arith.constant 0 : i32
          %lt3A_319 = arith.cmpi slt, %rem3A_315, %lt3A_318 : i32
          %lt3A_320 = arith.constant 0 : i32
          %lt3A_321 = arith.cmpi slt, %select_n3A_314, %lt3A_320 : i32
          %ne3A_322 = arith.xori %lt3A_319, %lt3A_321 : i1
          %and3A_323 = arith.andi %ne3A_322, %ne3A_317 : i1
          %add3A_324 = arith.addi %rem3A_315, %select_n3A_314 : i32
          %select_n3A_325 = arith.select %and3A_323, %add3A_324, %rem3A_315 : i32
          %dma_wait3A_326 = arith.constant 0 : i32
          %dma_wait3A_327 = tpu.memref_slice %arg4[%select_n3A_309, %select_n3A_325, %add3A_134, %dma_wait3A_326] : memref<8x12x576x576xf32, #tpu.memory_space<hbm>> -> memref<1x1x24x576xf32, #tpu.memory_space<hbm>>
          %dma_wait3A_328 = tpu.memref_squeeze %dma_wait3A_327 : memref<1x1x24x576xf32, #tpu.memory_space<hbm>> -> memref<24x576xf32, #tpu.memory_space<hbm>>
          %dma_wait3A_329 = arith.constant 0 : i32
          %dma_wait3A_330 = tpu.memref_slice %arg4[%select_n3A_309, %select_n3A_325, %add3A_134, %dma_wait3A_329] : memref<8x12x576x576xf32, #tpu.memory_space<hbm>> -> memref<1x1x24x576xf32, #tpu.memory_space<hbm>>
          %dma_wait3A_331 = tpu.memref_squeeze %dma_wait3A_330 : memref<1x1x24x576xf32, #tpu.memory_space<hbm>> -> memref<24x576xf32, #tpu.memory_space<hbm>>
          tpu.wait_dma2 semaphore(%arg13 : memref<!tpu.dma_semaphore, #tpu.memory_space<semaphore_mem>>) src(%arg9 : memref<24x576xf32, #tpu.memory_space<vmem>>) dst(%dma_wait3A_331 : memref<24x576xf32, #tpu.memory_space<hbm>>)
        } else {
        }
        %mul3A_221 = arith.constant 2 : i32
        %mul3A_222 = arith.muli %mul3A_221, %scan3A_148 : i32
        %add3A_223 = arith.addi %mul3A_11, %mul3A_222 : i32
        %add3A_224 = arith.constant 2 : i32
        %add3A_225 = arith.addi %add3A_223, %add3A_224 : i32
        %lt3A_226 = arith.constant 11 : i32
        %lt3A_227 = arith.cmpi slt, %scan3A_148, %lt3A_226 : i32
        %mul3A_228 = arith.constant 64 : i32
        %mul3A_229 = arith.muli %add3A_134, %mul3A_228 : i32
        %dma_wait3A_230 = tpu.memref_slice %arg2[%add3A_153, %mul3A_229] : memref<96x36864xf32, #tpu.memory_space<hbm>> -> memref<1x1536xf32, #tpu.memory_space<hbm>>
        %dma_wait3A_231 = tpu.memref_squeeze %dma_wait3A_230 : memref<1x1536xf32, #tpu.memory_space<hbm>> -> memref<1536xf32, #tpu.memory_space<hbm>>
        %dma_wait3A_232 = tpu.memref_slice %arg2[%add3A_153, %mul3A_229] : memref<96x36864xf32, #tpu.memory_space<hbm>> -> memref<1x1536xf32, #tpu.memory_space<hbm>>
        %dma_wait3A_233 = tpu.memref_squeeze %dma_wait3A_232 : memref<1x1536xf32, #tpu.memory_space<hbm>> -> memref<1536xf32, #tpu.memory_space<hbm>>
        tpu.wait_dma2 semaphore(%arg11 : memref<!tpu.dma_semaphore, #tpu.memory_space<semaphore_mem>>) src(%dma_wait3A_233 : memref<1536xf32, #tpu.memory_space<hbm>>) dst(%arg7 : memref<1536xf32, #tpu.memory_space<vmem>>)
        %convert_element_type3A_234 = arith.extui %lt3A_227 : i1 to i32
        %cond3A_235 = arith.constant 0 : i32
        %cond3A_236 = arith.cmpi ne, %convert_element_type3A_234, %cond3A_235 : i32
        scf.if %cond3A_236 {
          %mul3A_286 = arith.constant 64 : i32
          %mul3A_287 = arith.muli %add3A_134, %mul3A_286 : i32
          %dma_start3A_288 = tpu.memref_slice %arg2[%add3A_225, %mul3A_287] : memref<96x36864xf32, #tpu.memory_space<hbm>> -> memref<1x1536xf32, #tpu.memory_space<hbm>>
          %dma_start3A_289 = tpu.memref_squeeze %dma_start3A_288 : memref<1x1536xf32, #tpu.memory_space<hbm>> -> memref<1536xf32, #tpu.memory_space<hbm>>
          %dma_start3A_290 = tpu.memref_slice %arg2[%add3A_225, %mul3A_287] : memref<96x36864xf32, #tpu.memory_space<hbm>> -> memref<1x1536xf32, #tpu.memory_space<hbm>>
          %dma_start3A_291 = tpu.memref_squeeze %dma_start3A_290 : memref<1x1536xf32, #tpu.memory_space<hbm>> -> memref<1536xf32, #tpu.memory_space<hbm>>
          tpu.enqueue_dma source(%dma_start3A_291 : memref<1536xf32, #tpu.memory_space<hbm>>) target(%arg6 : memref<1536xf32, #tpu.memory_space<vmem>>) target_semaphore(%arg10 : memref<!tpu.dma_semaphore, #tpu.memory_space<semaphore_mem>>)
        } else {
        }
        %parallel_loop3A_237 = arith.constant 0 : i32
        %parallel_loop3A_238 = arith.constant 24 : i32
        %parallel_loop3A_239 = arith.constant 1 : i32
        scf.for %parallel_loop3A_286 = %parallel_loop3A_237 to %parallel_loop3A_238 step %parallel_loop3A_239  : i32 {
          %parallel_loop3A_287 = arith.constant 576 : i32
          %parallel_loop3A_288 = arith.muli %parallel_loop3A_286, %parallel_loop3A_287 : i32
          %parallel_loop3A_289 = arith.constant 0 : i32
          %parallel_loop3A_290 = arith.constant 36 : i32
          %parallel_loop3A_291 = arith.constant 1 : i32
          scf.for %parallel_loop3A_292 = %parallel_loop3A_289 to %parallel_loop3A_290 step %parallel_loop3A_291  : i32 {
            %parallel_loop3A_293 = arith.constant 16 : i32
            %parallel_loop3A_294 = arith.muli %parallel_loop3A_292, %parallel_loop3A_293 : i32
            %parallel_loop3A_295 = arith.addi %parallel_loop3A_288, %parallel_loop3A_294 : i32
            %parallel_loop3A_296 = arith.index_cast %parallel_loop3A_295 : i32 to index
            %parallel_loop3A_297 = tpu.vector_load %arg5[%parallel_loop3A_296] {strides = array<i32>} : memref<13824xi32, #tpu.memory_space<vmem>>, vector<16xi32>,
            %parallel_loop3A_298 = tpu.vector_load_idx %arg7[%parallel_loop3A_297] : memref<1536xf32, #tpu.memory_space<vmem>>[vector<16xi32>], vector<16xf32>,
            %parallel_loop3A_299 = arith.constant 16 : i32
            %parallel_loop3A_300 = arith.muli %parallel_loop3A_292, %parallel_loop3A_299 : i32
            %parallel_loop3A_301 = arith.index_cast %parallel_loop3A_286 : i32 to index
            %parallel_loop3A_302 = arith.index_cast %parallel_loop3A_300 : i32 to index
            %parallel_loop3A_303 = tpu.vector_load %arg9[%parallel_loop3A_301, %parallel_loop3A_302] {strides = array<i32>} : memref<24x576xf32, #tpu.memory_space<vmem>>, vector<16xf32>,
            tpu.vector_store %arg9[%parallel_loop3A_301, %parallel_loop3A_302], %parallel_loop3A_298 {strides = array<i32>} : memref<24x576xf32, #tpu.memory_space<vmem>>, vector<16xf32>,
          } {sc.loop_unroll_factor = 9 : i64, sc.parallel_access}
        } {sc.loop_unroll_factor = 1 : i64, sc.parallel_access}
        %jit3A_240 = arith.constant 12 : i32
        %div3A_241 = arith.divsi %add3A_153, %jit3A_240 : i32
        %sign3A_242 = arith.constant 0 : i32
        %sign3A_243 = arith.cmpi sgt, %add3A_153, %sign3A_242 : i32
        %sign3A_244 = arith.extui %sign3A_243 : i1 to i32
        %sign3A_245 = arith.constant 0 : i32
        %sign3A_246 = arith.cmpi slt, %add3A_153, %sign3A_245 : i32
        %sign3A_247 = arith.extui %sign3A_246 : i1 to i32
        %sign3A_248 = arith.subi %sign3A_244, %sign3A_247 : i32
        %sign3A_249 = arith.constant 0 : i32
        %sign3A_250 = arith.cmpi sgt, %jit3A_240, %sign3A_249 : i32
        %sign3A_251 = arith.extui %sign3A_250 : i1 to i32
        %sign3A_252 = arith.constant 0 : i32
        %sign3A_253 = arith.cmpi slt, %jit3A_240, %sign3A_252 : i32
        %sign3A_254 = arith.extui %sign3A_253 : i1 to i32
        %sign3A_255 = arith.subi %sign3A_251, %sign3A_254 : i32
        %ne3A_256 = arith.cmpi ne, %sign3A_248, %sign3A_255 : i32
        %rem3A_257 = arith.remsi %add3A_153, %jit3A_240 : i32
        %ne3A_258 = arith.constant 0 : i32
        %ne3A_259 = arith.cmpi ne, %rem3A_257, %ne3A_258 : i32
        %and3A_260 = arith.andi %ne3A_256, %ne3A_259 : i1
        %sub3A_261 = arith.constant 1 : i32
        %sub3A_262 = arith.subi %div3A_241, %sub3A_261 : i32
        %select_n3A_263 = arith.select %and3A_260, %sub3A_262, %div3A_241 : i32
        %jit3A_264 = arith.constant 12 : i32
        %eq3A_265 = arith.constant 0 : i32
        %eq3A_266 = arith.cmpi eq, %jit3A_264, %eq3A_265 : i32
        %jit3A_267 = arith.constant 1 : i32
        %select_n3A_268 = arith.select %eq3A_266, %jit3A_267, %jit3A_264 : i32
        %rem3A_269 = arith.remsi %add3A_153, %select_n3A_268 : i32
        %ne3A_270 = arith.constant 0 : i32
        %ne3A_271 = arith.cmpi ne, %rem3A_269, %ne3A_270 : i32
        %lt3A_272 = arith.constant 0 : i32
        %lt3A_273 = arith.cmpi slt, %rem3A_269, %lt3A_272 : i32
        %lt3A_274 = arith.constant 0 : i32
        %lt3A_275 = arith.cmpi slt, %select_n3A_268, %lt3A_274 : i32
        %ne3A_276 = arith.xori %lt3A_273, %lt3A_275 : i1
        %and3A_277 = arith.andi %ne3A_276, %ne3A_271 : i1
        %add3A_278 = arith.addi %rem3A_269, %select_n3A_268 : i32
        %select_n3A_279 = arith.select %and3A_277, %add3A_278, %rem3A_269 : i32
        %dma_start3A_280 = arith.constant 0 : i32
        %dma_start3A_281 = tpu.memref_slice %arg4[%select_n3A_263, %select_n3A_279, %add3A_134, %dma_start3A_280] : memref<8x12x576x576xf32, #tpu.memory_space<hbm>> -> memref<1x1x24x576xf32, #tpu.memory_space<hbm>>
        %dma_start3A_282 = tpu.memref_squeeze %dma_start3A_281 : memref<1x1x24x576xf32, #tpu.memory_space<hbm>> -> memref<24x576xf32, #tpu.memory_space<hbm>>
        %dma_start3A_283 = arith.constant 0 : i32
        %dma_start3A_284 = tpu.memref_slice %arg4[%select_n3A_263, %select_n3A_279, %add3A_134, %dma_start3A_283] : memref<8x12x576x576xf32, #tpu.memory_space<hbm>> -> memref<1x1x24x576xf32, #tpu.memory_space<hbm>>
        %dma_start3A_285 = tpu.memref_squeeze %dma_start3A_284 : memref<1x1x24x576xf32, #tpu.memory_space<hbm>> -> memref<24x576xf32, #tpu.memory_space<hbm>>
        tpu.enqueue_dma source(%arg9 : memref<24x576xf32, #tpu.memory_space<vmem>>) target(%dma_start3A_285 : memref<24x576xf32, #tpu.memory_space<hbm>>) target_semaphore(%arg13 : memref<!tpu.dma_semaphore, #tpu.memory_space<semaphore_mem>>)
      }
      %scan3A_147 = arith.constant 12 : i32
    }
    %scan3A_39 = arith.constant 3 : i32
    %jit3A_40 = arith.constant 12 : i32
    %div3A_41 = arith.divsi %mul3A_11, %jit3A_40 : i32
    %sign3A_42 = arith.constant 0 : i32
    %sign3A_43 = arith.cmpi sgt, %mul3A_11, %sign3A_42 : i32
    %sign3A_44 = arith.extui %sign3A_43 : i1 to i32
    %sign3A_45 = arith.constant 0 : i32
    %sign3A_46 = arith.cmpi slt, %mul3A_11, %sign3A_45 : i32
    %sign3A_47 = arith.extui %sign3A_46 : i1 to i32
    %sign3A_48 = arith.subi %sign3A_44, %sign3A_47 : i32
    %sign3A_49 = arith.constant 0 : i32
    %sign3A_50 = arith.cmpi sgt, %jit3A_40, %sign3A_49 : i32
    %sign3A_51 = arith.extui %sign3A_50 : i1 to i32
    %sign3A_52 = arith.constant 0 : i32
    %sign3A_53 = arith.cmpi slt, %jit3A_40, %sign3A_52 : i32
    %sign3A_54 = arith.extui %sign3A_53 : i1 to i32
    %sign3A_55 = arith.subi %sign3A_51, %sign3A_54 : i32
    %ne3A_56 = arith.cmpi ne, %sign3A_48, %sign3A_55 : i32
    %rem3A_57 = arith.remsi %mul3A_11, %jit3A_40 : i32
    %ne3A_58 = arith.constant 0 : i32
    %ne3A_59 = arith.cmpi ne, %rem3A_57, %ne3A_58 : i32
    %and3A_60 = arith.andi %ne3A_56, %ne3A_59 : i1
    %sub3A_61 = arith.constant 1 : i32
    %sub3A_62 = arith.subi %div3A_41, %sub3A_61 : i32
    %select_n3A_63 = arith.select %and3A_60, %sub3A_62, %div3A_41 : i32
    %jit3A_64 = arith.constant 12 : i32
    %eq3A_65 = arith.constant 0 : i32
    %eq3A_66 = arith.cmpi eq, %jit3A_64, %eq3A_65 : i32
    %jit3A_67 = arith.constant 1 : i32
    %select_n3A_68 = arith.select %eq3A_66, %jit3A_67, %jit3A_64 : i32
    %rem3A_69 = arith.remsi %mul3A_11, %select_n3A_68 : i32
    %ne3A_70 = arith.constant 0 : i32
    %ne3A_71 = arith.cmpi ne, %rem3A_69, %ne3A_70 : i32
    %lt3A_72 = arith.constant 0 : i32
    %lt3A_73 = arith.cmpi slt, %rem3A_69, %lt3A_72 : i32
    %lt3A_74 = arith.constant 0 : i32
    %lt3A_75 = arith.cmpi slt, %select_n3A_68, %lt3A_74 : i32
    %ne3A_76 = arith.xori %lt3A_73, %lt3A_75 : i1
    %and3A_77 = arith.andi %ne3A_76, %ne3A_71 : i1
    %add3A_78 = arith.addi %rem3A_69, %select_n3A_68 : i32
    %select_n3A_79 = arith.select %and3A_77, %add3A_78, %rem3A_69 : i32
    %dma_wait3A = arith.constant 0 : i32
    %dma_wait3A_80 = tpu.memref_slice %arg4[%select_n3A_63, %select_n3A_79, %mul3A_34, %dma_wait3A] : memref<8x12x576x576xf32, #tpu.memory_space<hbm>> -> memref<1x1x24x576xf32, #tpu.memory_space<hbm>>
    %dma_wait3A_81 = tpu.memref_squeeze %dma_wait3A_80 : memref<1x1x24x576xf32, #tpu.memory_space<hbm>> -> memref<24x576xf32, #tpu.memory_space<hbm>>
    %dma_wait3A_82 = arith.constant 0 : i32
    %dma_wait3A_83 = tpu.memref_slice %arg4[%select_n3A_63, %select_n3A_79, %mul3A_34, %dma_wait3A_82] : memref<8x12x576x576xf32, #tpu.memory_space<hbm>> -> memref<1x1x24x576xf32, #tpu.memory_space<hbm>>
    %dma_wait3A_84 = tpu.memref_squeeze %dma_wait3A_83 : memref<1x1x24x576xf32, #tpu.memory_space<hbm>> -> memref<24x576xf32, #tpu.memory_space<hbm>>
    tpu.wait_dma2 semaphore(%arg12 : memref<!tpu.dma_semaphore, #tpu.memory_space<semaphore_mem>>) src(%arg8 : memref<24x576xf32, #tpu.memory_space<vmem>>) dst(%dma_wait3A_84 : memref<24x576xf32, #tpu.memory_space<hbm>>)
    %jit3A_85 = arith.constant 12 : i32
    %div3A_86 = arith.divsi %mul3A_11, %jit3A_85 : i32
    %sign3A_87 = arith.constant 0 : i32
    %sign3A_88 = arith.cmpi sgt, %mul3A_11, %sign3A_87 : i32
    %sign3A_89 = arith.extui %sign3A_88 : i1 to i32
    %sign3A_90 = arith.constant 0 : i32
    %sign3A_91 = arith.cmpi slt, %mul3A_11, %sign3A_90 : i32
    %sign3A_92 = arith.extui %sign3A_91 : i1 to i32
    %sign3A_93 = arith.subi %sign3A_89, %sign3A_92 : i32
    %sign3A_94 = arith.constant 0 : i32
    %sign3A_95 = arith.cmpi sgt, %jit3A_85, %sign3A_94 : i32
    %sign3A_96 = arith.extui %sign3A_95 : i1 to i32
    %sign3A_97 = arith.constant 0 : i32
    %sign3A_98 = arith.cmpi slt, %jit3A_85, %sign3A_97 : i32
    %sign3A_99 = arith.extui %sign3A_98 : i1 to i32
    %sign3A_100 = arith.subi %sign3A_96, %sign3A_99 : i32
    %ne3A_101 = arith.cmpi ne, %sign3A_93, %sign3A_100 : i32
    %rem3A_102 = arith.remsi %mul3A_11, %jit3A_85 : i32
    %ne3A_103 = arith.constant 0 : i32
    %ne3A_104 = arith.cmpi ne, %rem3A_102, %ne3A_103 : i32
    %and3A_105 = arith.andi %ne3A_101, %ne3A_104 : i1
    %sub3A_106 = arith.constant 1 : i32
    %sub3A_107 = arith.subi %div3A_86, %sub3A_106 : i32
    %select_n3A_108 = arith.select %and3A_105, %sub3A_107, %div3A_86 : i32
    %jit3A_109 = arith.constant 12 : i32
    %eq3A_110 = arith.constant 0 : i32
    %eq3A_111 = arith.cmpi eq, %jit3A_109, %eq3A_110 : i32
    %jit3A_112 = arith.constant 1 : i32
    %select_n3A_113 = arith.select %eq3A_111, %jit3A_112, %jit3A_109 : i32
    %rem3A_114 = arith.remsi %mul3A_11, %select_n3A_113 : i32
    %ne3A_115 = arith.constant 0 : i32
    %ne3A_116 = arith.cmpi ne, %rem3A_114, %ne3A_115 : i32
    %lt3A_117 = arith.constant 0 : i32
    %lt3A_118 = arith.cmpi slt, %rem3A_114, %lt3A_117 : i32
    %lt3A_119 = arith.constant 0 : i32
    %lt3A_120 = arith.cmpi slt, %select_n3A_113, %lt3A_119 : i32
    %ne3A_121 = arith.xori %lt3A_118, %lt3A_120 : i1
    %and3A_122 = arith.andi %ne3A_121, %ne3A_116 : i1
    %add3A_123 = arith.addi %rem3A_114, %select_n3A_113 : i32
    %select_n3A_124 = arith.select %and3A_122, %add3A_123, %rem3A_114 : i32
    %dma_wait3A_125 = arith.constant 0 : i32
    %dma_wait3A_126 = tpu.memref_slice %arg4[%select_n3A_108, %select_n3A_124, %mul3A_34, %dma_wait3A_125] : memref<8x12x576x576xf32, #tpu.memory_space<hbm>> -> memref<1x1x24x576xf32, #tpu.memory_space<hbm>>
    %dma_wait3A_127 = tpu.memref_squeeze %dma_wait3A_126 : memref<1x1x24x576xf32, #tpu.memory_space<hbm>> -> memref<24x576xf32, #tpu.memory_space<hbm>>
    %dma_wait3A_128 = arith.constant 0 : i32
    %dma_wait3A_129 = tpu.memref_slice %arg4[%select_n3A_108, %select_n3A_124, %mul3A_34, %dma_wait3A_128] : memref<8x12x576x576xf32, #tpu.memory_space<hbm>> -> memref<1x1x24x576xf32, #tpu.memory_space<hbm>>
    %dma_wait3A_130 = tpu.memref_squeeze %dma_wait3A_129 : memref<1x1x24x576xf32, #tpu.memory_space<hbm>> -> memref<24x576xf32, #tpu.memory_space<hbm>>
    tpu.wait_dma2 semaphore(%arg13 : memref<!tpu.dma_semaphore, #tpu.memory_space<semaphore_mem>>) src(%arg9 : memref<24x576xf32, #tpu.memory_space<vmem>>) dst(%dma_wait3A_130 : memref<24x576xf32, #tpu.memory_space<hbm>>)
    return
  }
}

module attributes {stable_mosaic.version = 14 : i64} {
  func.func @_mm_body(%arg0: i32, %arg1: memref<8x1x576x64xf32, #tpu.memory_space<vmem>>, %arg2: memref<1x64x64xf32, #tpu.memory_space<vmem>>, %arg3: memref<8x1x576x64xf32, #tpu.memory_space<vmem>>) attributes {dimension_semantics = [#tpu.dimension_semantics<arbitrary>], iteration_bounds = array<i64: 12>, scalar_prefetch = 0 : i64, scratch_operands = 0 : i64, tpu.core_type = #tpu.core_type<tc>, window_params = [{transform_indices = @transform_0, window_bounds = array<i64: 8, 1, 576, 64>}, {transform_indices = @transform_1, window_bounds = array<i64: 1, 64, 64>}, {transform_indices = @transform_2, window_bounds = array<i64: 8, 1, 576, 64>}]} {
    %get3A = arith.constant 0 : index
    %get3A_0 = arith.constant 0 : index
    %get3A_1 = arith.constant 0 : index
    %get3A_2 = arith.constant 0 : index
    %get3A_3 = vector.load %arg1[%get3A, %get3A_0, %get3A_1, %get3A_2] : memref<8x1x576x64xf32, #tpu.memory_space<vmem>>, vector<8x1x576x64xf32>
    %get3A_4 = vector.shape_cast %get3A_3 : vector<8x1x576x64xf32> to vector<8x576x64xf32>
    %reshape3A = vector.shape_cast %get3A_4 : vector<8x576x64xf32> to vector<4608x64xf32>
    %get3A_5 = arith.constant 0 : index
    %get3A_6 = arith.constant 0 : index
    %get3A_7 = arith.constant 0 : index
    %get3A_8 = vector.load %arg2[%get3A_5, %get3A_6, %get3A_7] : memref<1x64x64xf32, #tpu.memory_space<vmem>>, vector<1x64x64xf32>
    %get3A_9 = vector.shape_cast %get3A_8 : vector<1x64x64xf32> to vector<64x64xf32>
    %dot_general3A = arith.constant dense<0.000000e+00> : vector<4608x64xf32>
    %dot_general3A_10 = tpu.matmul %reshape3A, %get3A_9, %dot_general3A {dimension_numbers = #tpu.dot_dimension_numbers<[1], [0], [0], [1], [0, 0, 1, 1], [], []>, transpose_lhs_hint = false} : vector<4608x64xf32>, vector<64x64xf32>, vector<4608x64xf32> -> vector<4608x64xf32>
    %reshape3A_11 = vector.shape_cast %dot_general3A_10 : vector<4608x64xf32> to vector<8x576x64xf32>
    %swap3A = arith.constant 0 : index
    %swap3A_12 = arith.constant 0 : index
    %swap3A_13 = arith.constant 0 : index
    %swap3A_14 = arith.constant 0 : index
    %swap3A_15 = vector.load %arg3[%swap3A, %swap3A_12, %swap3A_13, %swap3A_14] : memref<8x1x576x64xf32, #tpu.memory_space<vmem>>, vector<8x1x576x64xf32>
    %swap3A_16 = vector.shape_cast %swap3A_15 : vector<8x1x576x64xf32> to vector<8x576x64xf32>
    %swap3A_17 = vector.shape_cast %reshape3A_11 : vector<8x576x64xf32> to vector<8x1x576x64xf32>
    tpu.vector_store %arg3[%swap3A, %swap3A_12, %swap3A_13, %swap3A_14], %swap3A_17 {strides = array<i32>} : memref<8x1x576x64xf32, #tpu.memory_space<vmem>>, vector<8x1x576x64xf32>,
    return
  }
  func.func @transform_0(%arg0: i32) -> (i32, i32, i32, i32) {
    %c0_i32 = arith.constant 0 : i32
    %c0_i32_0 = arith.constant 0 : i32
    %c0_i32_1 = arith.constant 0 : i32
    %c0_i32_2 = arith.constant 0 : i32
    return %c0_i32, %arg0, %c0_i32_0, %c0_i32_1 : i32, i32, i32, i32
  }
  func.func @transform_1(%arg0: i32) -> (i32, i32, i32) {
    %c0_i32 = arith.constant 0 : i32
    %c0_i32_0 = arith.constant 0 : i32
    %c0_i32_1 = arith.constant 0 : i32
    return %arg0, %c0_i32, %c0_i32_0 : i32, i32, i32
  }
  func.func @transform_2(%arg0: i32) -> (i32, i32, i32, i32) {
    %c0_i32 = arith.constant 0 : i32
    %c0_i32_0 = arith.constant 0 : i32
    %c0_i32_1 = arith.constant 0 : i32
    %c0_i32_2 = arith.constant 0 : i32
    return %c0_i32, %arg0, %c0_i32_0, %c0_i32_1 : i32, i32, i32, i32
  }
}

</mosaic_0001>

<sc_bundles>
// kernel: kernel.4.cloned.1.call-start
scs
__scs_entry_jumppad:
0x0: {  	(pc) =	sbr.rel $0x88, $3  }
0x1: {  	(tag) =	ssettag $0x0;
	lr =	simm.s32 $0x1  }
0x2: {  	[smem:$0x3F9D] =	sst lr;
	_ =	strace $0xD0000000  }
0x3: {  	_ = 	snop  }
0x4: {  	_ = 	snop  }
0x5: {  	_ = 	snop  }
0x6: {  	_ = 	snop  }
0x7: {  	_ = 	snop  }
__scs_overlays_trampoline_lowered:
0x8: {  	[smem:$0x3FAC] =	sst s0  }
0x9: {  	[smem:$0x3FAD] =	sst s1  }
0xa: {  	[smem:$0x3FAE] =	sst s2  }
0xb: {  	[smem:$0x3FAF] =	sst s3  }
0xc: {  	[smem:$0x3FB0] =	sst s4  }
0xd: {  	[smem:$0x3FB1] =	sst s5  }
0xe: {  	[smem:$0x3FB2] =	sst s6  }
0xf: {  	[smem:$0x3FB3] =	sst s7  }
0x10: {  	[smem:$0x3FB4] =	sst s8  }
0x11: {  	[smem:$0x3FB5] =	sst s9;
	s0 =	simm.s32 @!p0 $0x0  }
0x12: {  	s1 =	sld [smem:$0x3F9B];
	s0 =	simm.s32 @p0 $0x1  }
0x13: {  	[smem:$0x3FB6] =	sst s0;
	s0 =	simm.s32 @!p1 $0x0  }
0x14: {  	s2 =	sld [smem:$0x3F9A];
	s0 =	simm.s32 @p1 $0x1  }
0x15: {  	[smem:$0x3FB7] =	sst s0;
	s0 =	simm.s32 @!p2 $0x0  }
0x16: {  	s3 =	sld [smem:$0x3FDB];
	s0 =	simm.s32 @p2 $0x1  }
0x17: {  	s4 =	simm.s32 $0x1BF5;
	[smem:$0x3FB9] =	sst s0  }
0x18: {  	s0 =	sld [smem:$0x3F9C];
	_ =	swait.ge [sflag:s4], $0x0  }
0x19: {  	s7 =	sld [smem:$0x3F9D]  }
0x1a: {  	s8 =	sadd.s32 $0xFFFFE003, lr  }
0x1b: {  	s9 =	sadd.s32 $0xFFFFFEF7, lr;
	s5 =	simm.s32 $0xFFFFFFFF;
	p2 =	slt.u32 s8, $0xFFFFF086  }
0x1c: {  	p1 =	slt.u32 s9, $0xF7A;
	s5 =	simm.s32 @!p2 $0x0  }
0x1d: {  	s5 =	simm.s32 @p1 $0x1;
	p0 =	seq.s32 s7, s2  }
0x1e: {  	s7 =	smul.u32 @!p0 $0xF7A, s2;
	p2 =	seq.s32 @!p0 s5, $0x0  }
0x1f: {  	s9 =	smul.u32 $0xF7A, s1;
	s8 =	simm.s32 @!p0 $0x1BF5;
	p2 =	por !p2, p0  }
0x20: {  	[sflag:s8] =	ssyncset.s32 @!p0 $0xFFFFF086;
	s6 =	sadd.s32 @!p0 s3, s7;
	s7 =	simm.s32 @!p0 $0x108  }
0x21: {  	s3 =	sadd.s32 s3, s9;
	s6 =	sadd.s32 @!p0 $0x88, s6;
	s7 =	simm.s32 @p2 $0x1082  }
0x22: {  	[simem:s7], [sflag:s8] =	dma.local @!p0 [hbm:s6], $0xF7A  }
0x23: {  	s9 =	sor.u32 $0xD0000000, s2;
	s6 =	simm.s32 $0x108;
	_ =	swait.ge @!p0 [sflag:s8], $0x0  }
0x24: {  	s3 =	sadd.s32 $0x88, s3;
	s6 =	simm.s32 @!p1 $0x1082;
	[sflag:s4] =	ssyncset.s32 $0xFFFFF086  }
0x25: {  	[simem:s6], [sflag:s4] =	dma.local [hbm:s3], $0xF7A  }
0x26: {  	[smem:$0x3F9D] =	sst s1;
	(tag) =	ssettag s2;
	_ =	strace s9  }
0x27: {  	s1 =	sld [smem:$0x3FAD]  }
0x28: {  	s2 =	sld [smem:$0x3FAE]  }
0x29: {  	s4 =	sld [smem:$0x3FB0]  }
0x2a: {  	p0 =	seq.s32 s5, $0x0;
	s5 =	sld [smem:$0x3FB1]  }
0x2b: {  	s6 =	sld [smem:$0x3FB2]  }
0x2c: {  	s7 =	sld [smem:$0x3FB3]  }
0x2d: {  	s3 =	simm.s32 $0x108;
	s8 =	sld [smem:$0x3FB4]  }
0x2e: {  	s3 =	simm.s32 @!p0 $0x1082;
	s9 =	sld [smem:$0x3FB5]  }
0x2f: {  	lr =	sadd.s32 s0, s3;
	s0 =	sld [smem:$0x3FAC]  }
0x30: {  	s3 =	sld [smem:$0x3FAF]  }
0x31: {  	[smem:$0x3FB8] =	sst s10  }
0x32: {  	s10 =	sld [smem:$0x3FB6];
	_ =	sdelay $0x3  }
0x33: {  	p0 =	seq.s32 s10, $0x1;
	s10 =	sld [smem:$0x3FB8];
	_ =	sdelay $0x3  }
0x34: {  	[smem:$0x3FB8] =	sst s10  }
0x35: {  	s10 =	sld [smem:$0x3FB7];
	_ =	sdelay $0x3  }
0x36: {  	p1 =	seq.s32 s10, $0x1;
	s10 =	sld [smem:$0x3FB8];
	_ =	sdelay $0x3  }
0x37: {  	[smem:$0x3FB8] =	sst s10  }
0x38: {  	s10 =	sld [smem:$0x3FB9]  }
0x39: {  	_ = 	snop;
	(pc) =	sbr.ind lr, $3  }
0x3a: {  	_ = 	snop  }
0x3b: {  	_ = 	snop  }
0x3c: {  	p2 =	seq.s32 s10, $0x1;
	s10 =	sld [smem:$0x3FB8]  }
0x3d: {  	_ =	shalt  }
0x3e: {  	_ =	shalt  }
0x3f: {  	_ =	shalt  }
0x40: {  	_ =	shalt  }
0x41: {  	_ =	shalt  }
0x42: {  	_ =	shalt  }
0x43: {  	_ =	shalt  }
0x44: {  	_ =	shalt  }
0x45: {  	_ =	shalt  }
0x46: {  	_ =	shalt  }
0x47: {  	_ =	shalt  }
0x48: {  	_ =	shalt  }
0x49: {  	_ =	shalt  }
0x4a: {  	_ =	shalt  }
0x4b: {  	_ =	shalt  }
0x4c: {  	_ =	shalt  }
0x4d: {  	_ =	shalt  }
0x4e: {  	_ =	shalt  }
0x4f: {  	_ =	shalt  }
0x50: {  	_ =	shalt  }
0x51: {  	_ =	shalt  }
0x52: {  	_ =	shalt  }
0x53: {  	_ =	shalt  }
0x54: {  	_ =	shalt  }
0x55: {  	_ =	shalt  }
0x56: {  	_ =	shalt  }
0x57: {  	_ =	shalt  }
0x58: {  	_ =	shalt  }
0x59: {  	_ =	shalt  }
0x5a: {  	_ =	shalt  }
0x5b: {  	_ =	shalt  }
0x5c: {  	_ =	shalt  }
0x5d: {  	_ =	shalt  }
0x5e: {  	_ =	shalt  }
0x5f: {  	_ =	shalt  }
0x60: {  	_ =	shalt  }
0x61: {  	_ =	shalt  }
0x62: {  	_ =	shalt  }
0x63: {  	_ =	shalt  }
0x64: {  	_ =	shalt  }
0x65: {  	_ =	shalt  }
0x66: {  	_ =	shalt  }
0x67: {  	_ =	shalt  }
0x68: {  	_ =	shalt  }
0x69: {  	_ =	shalt  }
0x6a: {  	_ =	shalt  }
0x6b: {  	_ =	shalt  }
0x6c: {  	_ =	shalt  }
0x6d: {  	_ =	shalt  }
0x6e: {  	_ =	shalt  }
0x6f: {  	_ =	shalt  }
0x70: {  	_ =	shalt  }
0x71: {  	_ =	shalt  }
0x72: {  	_ =	shalt  }
0x73: {  	_ =	shalt  }
0x74: {  	_ =	shalt  }
0x75: {  	_ =	shalt  }
0x76: {  	_ =	shalt  }
0x77: {  	_ =	shalt  }
0x78: {  	_ =	shalt  }
0x79: {  	_ =	shalt  }
0x7a: {  	_ =	shalt  }
0x7b: {  	_ =	shalt  }
0x7c: {  	_ =	shalt  }
0x7d: {  	_ =	shalt  }
0x7e: {  	_ =	shalt  }
0x7f: {  	_ =	shalt  }
0x80: {  	_ =	shalt  }
0x81: {  	_ =	shalt  }
0x82: {  	_ =	shalt  }
0x83: {  	_ =	shalt  }
0x84: {  	_ =	shalt  }
0x85: {  	_ =	shalt  }
0x86: {  	_ =	shalt  }
0x87: {  	_ =	shalt  }
.Lfunc_end0:
.L_simem_size_0:
called_computation_lowered:
.L_overlay_start_0:
0x88: {  	s2 =	sld [smem:$0x3FD9]  }
0x89: {  	s3 =	sld [smem:$0x3FFE];
	_ =	sdelay $0x1  }
0x8a: {  	s1 =	srdreg.scid  }
0x8b: {  	s0 =	sand.u32 $0x1, s1  }
0x8c: {  	s17 =	sshll.u32 s0, $0xA;
	s2 =	sadd.s32 s3, s2  }
0x8d: {  	s2 =	sadd.s32 s2, s17  }
0x8e: {  	[smem:$0x3FC4] =	sst s2  }
0x8f: {  	_ = 	snop  }
0x90: {  	s2 =	sld [smem:$0x3FD0];
	(tm) =	ssettm $0x1  }
0x91: {  	s18 =	sld [smem:$0x3FFB];
	_ =	sdelay $0x3  }
0x92: {  	_ =	strace s18  }
0x93: {  	s3 =	sld [smem:$0x3FFC];
	_ =	sdelay $0x3  }
0x94: {  	_ =	strace s3  }
0x95: {  	s3 =	sld [smem:$0x3FFD];
	_ =	sdelay $0x3  }
0x96: {  	_ =	strace s3  }
0x97: {  	_ =	strace $0x8FFFFFFF  }
0x98: {  	s19 =	sld [smem:$0x3FDB];
	_ =	sdelay $0x1  }
0x99: {  	s4 =	simm.s32 $_scs_section_size  }
0x9a: {  	s5 =	simm.s32 $_size__tile_overlayer_lowered;
	s6 =	simm.s32 $_tile_overlayer_lowered  }
0x9b: {  	s22 =	simm.s32 $0x1BFF;
	s21 =	sshll.u32 s6, $0x1;
	s3 =	sadd.s32 s4, s19  }
0x9c: {  	s7 =	simm.s32 $0x0;
	s20 =	sshll.u32 s5, $0x1;
	s5 =	sadd.s32 s21, s3  }
0x9d: {  	[timem:s7], [sflag:s22] =	dma.local [hbm:s5], s20  }
0x9e: {  	_ =	swait.ge [sflag:s22], s20  }
0x9f: {  	s4 =	ssub.s32 $0x0, s20;
	[sflag:s22] =	ssyncset.done $0x0  }
0xa0: {  	[sflag:s22] =	ssyncadd.s32 s4;
	_ =	sdelay $0x1  }
0xa1: {  	s23 =	simm.s32 $0x1B8B  }
0xa2: {  	_ =	swait.ge [sflag:s23], $0x1  }
0xa3: {  	[sflag:s23] =	ssyncset.done $0x0  }
0xa4: {  	s25 =	simm.s32 $0x1B8E;
	s24 =	sld [smem:$0x3FFE];
	[sflag:s23] =	ssyncadd.s32 $0xFFFFFFFF  }
0xa5: {  	s26 =	simm.s32 $execute0_lowered;
	[smem:$0x3FD2] =	sst s25  }
0xa6: {  	s5 =	sshll.u32 s26, $0x1;
	_ =	strace $0x80000046;
	[dreg:$0x1] =	wrdreg $0xFFFFFFFF  }
0xa7: {  	s28 =	simm.s32 $_size_execute0_lowered;
	s3 =	sadd.s32 s3, s5;
	[dreg:$0x0] =	wrdreg $0x0  }
0xa8: {  	s5 =	sshll.u32 s28, $0x1;
	[dreg:$0x2] =	wrdreg s3  }
0xa9: {  	[dreg:$0x3] =	wrdreg s5  }
0xaa: {  	[dreg:$0x4] =	wrdreg $0xC0  }
0xab: {  	_ =	task [dreg:s7], $0x5FFFF  }
0xac: {  	[dreg:$0x1] =	wrdreg $0xFFFFFFFF  }
0xad: {  	[dreg:$0x0] =	wrdreg $0x60  }
0xae: {  	[dreg:$0x2] =	wrdreg s24  }
0xaf: {  	[dreg:$0x3] =	wrdreg s2  }
0xb0: {  	[dreg:$0x4] =	wrdreg $0x9  }
0xb1: {  	_ =	task.clear_ibuf [dreg:s7], $0x5FFFF;
	_ =	strace $0x90000046  }
0xb2: {  	s29 =	simm.s32 $0x9;
	_ =	strace $0x80000048  }
0xb3: {  	_ =	swait.ge [sflag:s29], $0x1  }
0xb4: {  	[sflag:s29] =	ssyncadd.s32 $0xFFFFFFFF  }
0xb5: {  	_ =	strace $0x90000048  }
0xb6: {  	_ =	sfence  }
0xb7: {  	s30 =	sld [smem:$0x0];
	_ =	sdelay $0x2  }
0xb8: {  	s31 =	sshll.u32 s1, $0xD;
	s1 =	sshrl.u32 s1, $0x2  }
0xb9: {  	s3 =	sand.u32 $0x4000, s31;
	s1 =	sadd.s32 s1, s30  }
0xba: {  	s0 =	sor.u32 s3, s0;
	s1 =	sshll.u32 s1, $0x11  }
0xbb: {  	s0 =	sor.u32 s1, s0  }
0xbc: {  	s0 =	sadd.s32 $0x8F2B, s0  }
0xbd: {  	[sflag:s0] =	ssyncadd.remote.s32 $0x1  }
0xbe: {  	_ =	sfence.sel $0xFFFF  }
0xbf: {  	[dreg:$0x0] =	wrdreg $0xFFFFFFFF;
	(pc) =	sbr.abs _section_cstart, $3  }
0xc0: {  	[dreg:$0x1] =	wrdreg $0xFFFFFFFF  }
0xc1: {  	_ =	task.clear_ibuf [dreg:s7], $0x2FFFF;
	_ =	strace $0x9FFFFFFF  }
0xc2: {  	(tm) =	ssettm $0x7FFFFFFF  }
0xc3: {  	_ =	shalt  }
tec
execute0_lowered:
.L_overlay_start_1:
0x0: {  	(tag) =	ssettag $0x1  }
0x1: {  	s0 =	rddreg [dreg:$0x0]  }
0x2: {  	s5 =	rddreg [dreg:$0x1]  }
0x3: {  	s4 =	stileid.u32;
	s24 =	simm.s32 $0x0;
	s1 =	srdreg.scid  }
0x4: {  	s2 =	sshll.u32 s4, $0x1;
	[smem:$0x7FF] =	sst s24;
	s1 =	sand.u32 $0x1, s1  }
0x5: {  	s4 =	sshrl.u32 s4, $0x1;
	s28 =	sadd.s32 $0xD8600, s0;
	s0 =	sadd.s32 $0x600, s0  }
0x6: {  	s2 =	sand.u32 $0x2, s2;
	_ =	strace $0x80000047;
	s3 =	ssub.s32 $0x2, s1  }
0x7: {  	[dreg:$0x4] =	wrdreg s28;
	s29 =	smul.u32 $0x48, s4;
	s1 =	sor.u32 s1, s2  }
0x8: {  	[dreg:$0x6] =	wrdreg s0;
	s6 =	smul.u32 $0x18, s1  }
0x9: {  	s26 =	sshrl.u32 s3, $0x1;
	[dreg:$0x5] =	wrdreg s29;
	s30 =	smul.u32 $0xD8000, s1  }
0xa: {  	s2 =	ssub.s32 s3, s26;
	[dreg:$0x3] =	wrdreg s6  }
0xb: {  	s13 =	simm.s32 $0x3600;
	s31 =	smax.u32 s2, $0x1;
	[dreg:$0x7] =	wrdreg s30  }
0xc: {  	s15 =	simm.s32 $0x3C00;
	s2 =	simm.s32 $0x0;
	[dreg:$0x8] =	wrdreg s31  }
.LBB2_1:
0xd: {  	[dreg:$0x9] =	wrdreg s2;
	s4 =	simm.s32 $0x0  }
.LBB2_2:
0xe: {  	s0 =	smul.u32 $0x18, s4  }
0xf: {  	s1 =	rddreg [dreg:$0x5]  }
0x10: {  	s0 =	sadd.s32 s1, s0  }
0x11: {  	s1 =	smul.u32 $0x48, s0  }
0x12: {  	s2 =	rddreg [dreg:$0x6];
	s23 =	simm.s32 $0x0;
	s26 =	simm.s32 $0x5  }
0x13: {  	s3 =	sshll.u32 s0, $0x9;
	s0 =	sshrl.u32 s0, $0x3;
	s1 =	sadd.s32 s2, s1  }
0x14: {  	[tilespmem:s23], [sflag:$0x5] =	stream.linear.gather [hbm4b:s1+s23], $0x3600, $0x38;
	[tilespmem:$0xBA00] =	vst v63  }
0x15: {  	s0 =	smul.u32 $0x1400, s0;
	_ =	swait.ge [sflag:s26], $0x3600;
	[dreg:$0xb] =	wrdreg s3  }
0x16: {  	s30 =	simm.s32 $0x80;
	s28 =	rddreg [dreg:$0x7]  }
0x17: {  	s31 =	simm.s32 $0x400;
	[dreg:$0xc] =	wrdreg s0;
	s1 =	sadd.s32 s28, s3  }
0x18: {  	[sflag:s26] =	ssyncset.done $0x0;
	s29 =	rddreg [dreg:$0x4];
	s1 =	sshrl.u32 s1, $0x3  }
0x19: {  	[dreg:$0xa] =	wrdreg s4;
	[sflag:s26] =	ssyncadd.s32 $0xFFFFCA00;
	s1 =	sadd.s32 s29, s1  }
0x1a: {  	[tilespmem:s13], [sflag:$0x1] =	stream.strided.gather [hbm4b:s1+s30], $0x600, s31, s30, $0x38;
	[tilespmem:$0xBA00] =	vst v63  }
.LBB2_3:
0x1b: {  	s0 =	sshll.u32 s23, $0x1;
	s1 =	sor.u32 s4, s23  }
0x1c: {  	s2 =	rddreg [dreg:$0x3];
	s20 =	simm.s32 $0x1;
	s22 =	simm.s32 $0x80  }
0x1d: {  	s25 =	simm.s32 $0x400;
	s29 =	sadd.s32 s2, s0;
	p0 =	seq.s32 s1, $0x0  }
0x1e: {  	s28 =	simm.s32 $0x40;
	s0 =	simm.s32 @!p0 $0x3;
	s16 =	sshrl.u32 s29, $0x3  }
0x1f: {  	s26 =	sor.u32 $0x1, s29;
	_ =	swait.ge @!p0 [sflag:s0], $0x3C00;
	s1 =	smul.u32 $0x48000, s16  }
0x20: {  	s17 =	sshll.u32 s26, $0x7;
	[sflag:s0] =	ssyncset.done @!p0 $0x0;
	s18 =	rddreg [dreg:$0xb]  }
0x21: {  	s19 =	sand.u32 $0x380, s17;
	[sflag:s0] =	ssyncadd.s32 @!p0 $0xFFFFC400;
	s0 =	sadd.s32 s18, s1  }
0x22: {  	s30 =	simm.s32 $0x0;
	_ =	swait.ge [sflag:s20], $0x600;
	s0 =	sor.u32 s19, s0  }
0x23: {  	[sflag:s20] =	ssyncset.done $0x0;
	s0 =	sshrl.u32 s0, $0x3;
	s21 =	rddreg [dreg:$0x4]  }
0x24: {  	s31 =	simm.s32 $0x0;
	[sflag:s20] =	ssyncadd.s32 $0xFFFFFA00;
	s0 =	sadd.s32 s21, s0  }
0x25: {  	[tilespmem:s15], [sflag:$0x2] =	stream.strided.gather [hbm4b:s0+s22], $0x600, s25, s22, $0x38;
	[tilespmem:$0xBA00] =	vst v63  }
.LBB2_4:
0x26: {  	v0 =	vld [tilespmem:s28+$0x40]  }
0x27: {  	v1 =	vld [tilespmem:s28+$0xFFFFFFD0]  }
0x28: {  	v2 =	vld [tilespmem:s28+$0xFFFFFFE0]  }
0x29: {  	v3 =	vld [tilespmem:s28+$0xFFFFFFF0]  }
0x2a: {  	s0 =	sshrl.u32 s31, $0x3;
	s1 =	sand.u32 $0x7, s30;
	v4 =	vld [tilespmem:s28+$0x0]  }
0x2b: {  	v5 =	vld [tilespmem:s28+$0x10];
	s2 =	sshll.u32 s31, $0x7;
	s19 =	simm.s32 $0x0;
	s20 =	simm.s32 $0x400  }
0x2c: {  	v6 =	vld [tilespmem:s28+$0x20];
	s21 =	simm.s32 $0x80;
	s6 =	simm.s32 $0x200;
	s7 =	simm.s32 $0x180  }
0x2d: {  	v7 =	vld [tilespmem:s28+$0x30];
	s8 =	simm.s32 $0x100;
	s10 =	simm.s32 $0x0;
	s18 =	simm.s32 $0x50  }
0x2e: {  	v8 =	vld [tilespmem:s28+$0xFFFFFFC0];
	s17 =	simm.s32 $0x300;
	s0 =	smul.u32 $0x5000, s0;
	s1 =	sshll.u32 s1, $0x9  }
0x2f: {  	s14 =	sand.u32 $0x380, s2;
	s25 =	sand.u32 $0x3FFFFC00, s19;
	s3 =	sand.u32 $0x3FFFFC00, s21;
	v0 =	vld.idx.msk [tilespmem:v0+s13+$0x0], $0xffff  }
0x30: {  	s4 =	sand.u32 $0x3FFFFC00, s8;
	s11 =	sand.u32 $0x3FFFFC00, s7;
	s1 =	sor.u32 s1, s0;
	v9 =	vld.idx.msk [tilespmem:v1+s13+$0x0], $0xffff  }
0x31: {  	s12 =	sand.u32 $0x3FFFFC00, s6;
	s0 =	sshra.s32 s0, $0x2;
	s1 =	sshra.s32 s1, $0x2;
	v10 =	vld.idx.msk [tilespmem:v2+s13+$0x0], $0xffff  }
0x32: {  	s22 =	sand.u32 $0x3FFFFC00, s20;
	s0 =	sadd.s32 $0x4200, s0;
	s9 =	sadd.s32 $0x4200, s1;
	v1 =	vld.idx.msk [tilespmem:v3+s13+$0x0], $0xffff  }
0x33: {  	s1 =	simm.s32 $0x70;
	s16 =	sadd.s32 s25, s9;
	s3 =	sadd.s32 s3, s9;
	v2 =	vld.idx.msk [tilespmem:v4+s13+$0x0], $0xffff  }
0x34: {  	s22 =	sadd.s32 s22, s9;
	s25 =	sadd.s32 s4, s9;
	s2 =	sadd.s32 s11, s9;
	v4 =	vld.idx.msk [tilespmem:v5+s13+$0x0], $0xffff  }
0x35: {  	s11 =	sadd.s32 s12, s9;
	s12 =	simm.s32 $0x60;
	s4 =	sand.u32 $0x70, s18;
	v3 =	vld.idx.msk [tilespmem:v6+s13+$0x0], $0xffff;
	[tilespmem:s22+$0x0] =	vst v0;
	v0 =	vmov s14  }
0x36: {  	s18 =	sadd.s32 $0x90, s28;
	v5 =	vld.idx.msk [tilespmem:v7+s13+$0x0], $0xffff;
	s22 =	simm.s32 $0x280;
	[tilespmem:s3+$0x10] =	vst v9;
	s3 =	sand.u32 $0x70, s12  }
0x37: {  	v6 =	vld.idx.msk [tilespmem:v8+s13+$0x0], $0xffff;
	s12 =	simm.s32 $0x380;
	[tilespmem:s25+$0x20] =	vst v10;
	s14 =	sand.u32 $0x3C00, s22;
	s22 =	sand.u32 $0x3C00, s17  }
.LBB2_5:
0x38: {  	v7 =	vld [tilespmem:s18+$0x40];
	s10 =	sadd.s32 $0x9, s10;
	[tilespmem:s2+$0x30] =	vst v1;
	s2 =	sadd.s32 s14, s0;
	s12 =	sand.u32 $0x3C00, s12  }
0x39: {  	v1 =	vld [tilespmem:s18+$0xFFFFFFD0];
	p1 =	slt.u32 s10, $0x1B;
	[tilespmem:s11+$0x40] =	vst v2;
	s2 =	sadd.s32 s4, s2;
	s4 =	sadd.s32 s22, s0  }
0x3a: {  	v2 =	vld [tilespmem:s18+$0xFFFFFFE0];
	[tilespmem:v0+s2+$0x0 ss:$0x1] =	vst.idx.msk $0xffff, v4;
	s2 =	sadd.s32 s3, s4;
	s3 =	sand.u32 $0x70, s1;
	s4 =	sadd.s32 s12, s0  }
0x3b: {  	v4 =	vld [tilespmem:s18+$0xFFFFFFF0];
	[tilespmem:v0+s2+$0x0 ss:$0x1] =	vst.idx.msk $0xffff, v3;
	s2 =	sadd.s32 s3, s4  }
0x3c: {  	v3 =	vld [tilespmem:s18+$0x0];
	[tilespmem:v0+s2+$0x0 ss:$0x1] =	vst.idx.msk $0xffff, v5  }
0x3d: {  	v5 =	vld [tilespmem:s18+$0x10];
	[tilespmem:s16+$0x0] =	vst v6  }
0x3e: {  	v6 =	vld [tilespmem:s18+$0x20]  }
0x3f: {  	s19 =	sadd.s32 $0x480, s19;
	s21 =	sadd.s32 $0x480, s21;
	v8 =	vld [tilespmem:s18+$0x30]  }
0x40: {  	s6 =	sadd.s32 $0x480, s6;
	s7 =	sadd.s32 $0x480, s7;
	s1 =	sadd.s32 $0x90, s1;
	v7 =	vld.idx.msk [tilespmem:v7+s13+$0x0], $0xffff  }
0x41: {  	s8 =	sadd.s32 $0x480, s8;
	s20 =	sadd.s32 $0x480, s20;
	s9 =	sadd.s32 $0x10, s9;
	v9 =	vld [tilespmem:s18+$0xFFFFFFC0]  }
0x42: {  	s3 =	sand.u32 $0x3FFFFC00, s21;
	s4 =	sand.u32 $0x3FFFFC00, s8;
	s2 =	sand.u32 $0x3FFFFC00, s19;
	v10 =	vld.idx.msk [tilespmem:v1+s13+$0x0], $0xffff  }
0x43: {  	s11 =	sand.u32 $0x3FFFFC00, s7;
	s17 =	sand.u32 $0x3FFFFC00, s20;
	s12 =	sand.u32 $0x3FFFFC00, s6;
	v11 =	vld.idx.msk [tilespmem:v2+s13+$0x0], $0xffff  }
0x44: {  	s17 =	sadd.s32 s17, s9;
	s14 =	sadd.s32 $0xFFFFFFE0, s1;
	v1 =	vld.idx.msk [tilespmem:v4+s13+$0x0], $0xffff  }
.Ltmp0:
0x45: {  	s3 =	sadd.s32 s3, s9;
	s16 =	sadd.s32 s2, s9;
	v2 =	vld.idx.msk [tilespmem:v3+s13+$0x0], $0xffff;
	(pc) =	sbr.rel @p1 .LBB2_5-.Ltmp0, $4  }
0x46: {  	s22 =	sadd.s32 s4, s9;
	s2 =	sadd.s32 s11, s9;
	s11 =	sadd.s32 s12, s9;
	v4 =	vld.idx.msk [tilespmem:v5+s13+$0x0], $0xffff;
	[tilespmem:s17+$0x0] =	vst v7  }
0x47: {  	s25 =	sadd.s32 $0x300, s19;
	s12 =	sadd.s32 $0xFFFFFFF0, s1;
	s17 =	sadd.s32 $0x280, s19;
	v3 =	vld.idx.msk [tilespmem:v6+s13+$0x0], $0xffff  }
0x48: {  	s4 =	sand.u32 $0x70, s14;
	[tilespmem:s3+$0x10] =	vst v10;
	s3 =	sand.u32 $0x70, s12;
	v5 =	vld.idx.msk [tilespmem:v8+s13+$0x0], $0xffff;
	s12 =	sadd.s32 $0x380, s19  }
0x49: {  	s18 =	sadd.s32 $0x90, s18;
	s14 =	sand.u32 $0x3C00, s17;
	v6 =	vld.idx.msk [tilespmem:v9+s13+$0x0], $0xffff;
	[tilespmem:s22+$0x20] =	vst v11;
	s22 =	sand.u32 $0x3C00, s25  }
0x4a: {  	_ = 	snop  }
0x4b: {  	s31 =	sadd.s32 $0x1, s31  }
0x4c: {  	[tilespmem:s2+$0x30] =	vst v1;
	s20 =	sadd.s32 s14, s0;
	s6 =	sand.u32 $0x3C00, s12;
	p1 =	sne.s32 s31, $0x18  }
.Ltmp1:
0x4d: {  	[tilespmem:s11+$0x40] =	vst v2;
	s21 =	sadd.s32 s22, s0;
	s2 =	sadd.s32 s4, s20;
	(pc) =	sbr.rel @p1 .LBB2_4-.Ltmp1, $4  }
0x4e: {  	s1 =	sand.u32 $0x70, s1;
	s22 =	sadd.s32 s3, s21;
	s25 =	sadd.s32 s6, s0;
	[tilespmem:v0+s2+$0x0 ss:$0x1] =	vst.idx.msk $0xffff, v4  }
0x4f: {  	[tilespmem:v0+s22+$0x0 ss:$0x1] =	vst.idx.msk $0xffff, v3;
	s0 =	sadd.s32 s1, s25  }
0x50: {  	[tilespmem:v0+s0+$0x0 ss:$0x1] =	vst.idx.msk $0xffff, v5  }
0x51: {  	s30 =	sadd.s32 $0x1, s30;
	s28 =	sadd.s32 $0x240, s28;
	[tilespmem:s16+$0x0] =	vst v6  }
0x52: {  	s0 =	smulhi.u32 $0x2AAAAAAB, s29;
	_ =	sdelay $0x1  }
0x53: {  	s0 =	sshrl.u32 s0, $0x1  }
0x54: {  	s1 =	smul.u32 $0xC, s0;
	_ =	sdelay $0x1  }
0x55: {  	s0 =	smul.u32 $0x438000, s0;
	s1 =	ssub.s32 s29, s1  }
0x56: {  	s2 =	rddreg [dreg:$0xc];
	s1 =	smul.u32 $0x5A000, s1  }
0x57: {  	s28 =	sadd.s32 s2, s0  }
0x58: {  	s0 =	sadd.s32 s1, s28  }
0x59: {  	s0 =	sshrl.u32 s0, $0x3  }
0x5a: {  	s22 =	simm.s32 $0x4200;
	p1 =	seq.s32 s23, $0xB;
	s0 =	sadd.s32 s5, s0  }
0x5b: {  	[hbm4b:s0+s24] =	stream.linear.scatter [tilespmem:s22], [sflag:$0x3], $0x3C00, $0x38;
	[tilespmem:$0xBA00] =	vst v63  }
0x5c: {  	s1 =	simm.s32 @!p0 $0x4;
	s0 =	sadd.s32 @!p1 $0x2, s29  }
0x5d: {  	s25 =	simm.s32 $0x2;
	s2 =	sshrl.u32 @!p1 s0, $0x3;
	_ =	swait.ge @!p0 [sflag:s1], $0x3C00  }
0x5e: {  	s30 =	simm.s32 $0x40;
	s2 =	smul.u32 @!p1 $0x48000, s2;
	[sflag:s1] =	ssyncset.done @!p0 $0x0  }
0x5f: {  	s0 =	sshll.u32 @!p1 s0, $0x7;
	[sflag:s1] =	ssyncadd.s32 @!p0 $0xFFFFC400;
	s1 =	rddreg [dreg:$0xb]  }
0x60: {  	s3 =	simm.s32 @!p1 $0x3600;
	s0 =	sand.u32 @!p1 $0x300, s0;
	s1 =	sadd.s32 @!p1 s1, s2  }
0x61: {  	_ =	swait.ge [sflag:s25], $0x600;
	s2 =	simm.s32 @!p1 $0x400;
	s0 =	sor.u32 @!p1 s0, s1  }
0x62: {  	[sflag:s25] =	ssyncset.done $0x0;
	s1 =	rddreg [dreg:$0x4];
	s0 =	sshrl.u32 @!p1 s0, $0x3  }
0x63: {  	[sflag:s25] =	ssyncadd.s32 $0xFFFFFA00;
	s0 =	sadd.s32 @!p1 s1, s0;
	s1 =	simm.s32 @!p1 $0x80  }
0x64: {  	[tilespmem:s3], [sflag:$0x1] =	stream.strided.gather @!p1 [hbm4b:s0+s1], $0x600, s2, s1, $0x38;
	[tilespmem:$0xBA00] =	vst v63  }
0x65: {  	s31 =	simm.s32 $0x0;
	s29 =	simm.s32 $0x0;
	s0 =	simm.s32 $0x0  }
.LBB2_8:
0x66: {  	v0 =	vld [tilespmem:s30+$0x40]  }
0x67: {  	v1 =	vld [tilespmem:s30+$0xFFFFFFD0]  }
0x68: {  	v2 =	vld [tilespmem:s30+$0xFFFFFFE0]  }
0x69: {  	v3 =	vld [tilespmem:s30+$0xFFFFFFF0]  }
0x6a: {  	s1 =	sshrl.u32 s0, $0x3;
	s2 =	sand.u32 $0x7, s31;
	v4 =	vld [tilespmem:s30+$0x0]  }
0x6b: {  	v5 =	vld [tilespmem:s30+$0x10];
	s3 =	sshll.u32 s0, $0x7;
	s9 =	simm.s32 $0x70;
	s20 =	simm.s32 $0x400  }
0x6c: {  	v6 =	vld [tilespmem:s30+$0x20];
	s21 =	simm.s32 $0x80;
	s6 =	simm.s32 $0x200;
	s7 =	simm.s32 $0x180  }
0x6d: {  	v7 =	vld [tilespmem:s30+$0x30];
	s8 =	simm.s32 $0x100;
	s10 =	simm.s32 $0x0;
	s16 =	sand.u32 $0x3FFFFC00, s29  }
0x6e: {  	v8 =	vld [tilespmem:s30+$0xFFFFFFC0];
	s17 =	simm.s32 $0x50;
	s24 =	simm.s32 $0x280;
	s1 =	smul.u32 $0x5000, s1  }
0x6f: {  	s25 =	simm.s32 $0x60;
	s5 =	simm.s32 $0x300;
	s2 =	sshll.u32 s2, $0x9;
	v0 =	vld.idx.msk [tilespmem:v0+s15+$0x0], $0xffff  }
0x70: {  	s11 =	sand.u32 $0x380, s3;
	s22 =	sand.u32 $0x3FFFFC00, s21;
	s2 =	sor.u32 s2, s1;
	v9 =	vld.idx.msk [tilespmem:v1+s15+$0x0], $0xffff  }
0x71: {  	s4 =	sand.u32 $0x3FFFFC00, s8;
	s12 =	sand.u32 $0x3FFFFC00, s7;
	s2 =	sshra.s32 s2, $0x2;
	v10 =	vld.idx.msk [tilespmem:v2+s15+$0x0], $0xffff  }
0x72: {  	s14 =	sand.u32 $0x3FFFFC00, s6;
	s1 =	sshra.s32 s1, $0x2;
	s19 =	sadd.s32 $0x7E00, s2;
	v1 =	vld.idx.msk [tilespmem:v3+s15+$0x0], $0xffff  }
0x73: {  	s18 =	sand.u32 $0x3FFFFC00, s20;
	s1 =	sadd.s32 $0x7E00, s1;
	s16 =	sadd.s32 s16, s19;
	v2 =	vld.idx.msk [tilespmem:v4+s15+$0x0], $0xffff  }
0x74: {  	s3 =	sadd.s32 s22, s19;
	s18 =	sadd.s32 s18, s19;
	s22 =	sadd.s32 s4, s19;
	v4 =	vld.idx.msk [tilespmem:v5+s15+$0x0], $0xffff  }
0x75: {  	s2 =	sadd.s32 s12, s19;
	s12 =	sadd.s32 s14, s19;
	s4 =	sand.u32 $0x70, s17;
	v3 =	vld.idx.msk [tilespmem:v6+s15+$0x0], $0xffff;
	[tilespmem:s18+$0x0] =	vst v0;
	v0 =	vmov s11  }
0x76: {  	s14 =	sand.u32 $0x3C00, s24;
	v5 =	vld.idx.msk [tilespmem:v7+s15+$0x0], $0xffff;
	[tilespmem:s3+$0x10] =	vst v9;
	s3 =	sand.u32 $0x70, s25;
	s25 =	simm.s32 $0x380  }
0x77: {  	v6 =	vld.idx.msk [tilespmem:v8+s15+$0x0], $0xffff;
	[tilespmem:s22+$0x20] =	vst v10;
	s22 =	sand.u32 $0x3C00, s5;
	s18 =	sadd.s32 $0x90, s30;
	s11 =	simm.s32 $0x0  }
.LBB2_9:
0x78: {  	v7 =	vld [tilespmem:s18+$0x40];
	s10 =	sadd.s32 $0x9, s10;
	[tilespmem:s2+$0x30] =	vst v1;
	s2 =	sadd.s32 s14, s1;
	s5 =	sand.u32 $0x3C00, s25  }
0x79: {  	v1 =	vld [tilespmem:s18+$0xFFFFFFD0];
	p0 =	slt.u32 s10, $0x1B;
	[tilespmem:s12+$0x40] =	vst v2;
	s2 =	sadd.s32 s4, s2;
	s4 =	sadd.s32 s22, s1  }
0x7a: {  	v2 =	vld [tilespmem:s18+$0xFFFFFFE0];
	[tilespmem:v0+s2+$0x0 ss:$0x1] =	vst.idx.msk $0xffff, v4;
	s2 =	sadd.s32 s3, s4;
	s3 =	sand.u32 $0x70, s9;
	s4 =	sadd.s32 s5, s1  }
0x7b: {  	v4 =	vld [tilespmem:s18+$0xFFFFFFF0];
	[tilespmem:v0+s2+$0x0 ss:$0x1] =	vst.idx.msk $0xffff, v3;
	s2 =	sadd.s32 s3, s4  }
0x7c: {  	v3 =	vld [tilespmem:s18+$0x0];
	[tilespmem:v0+s2+$0x0 ss:$0x1] =	vst.idx.msk $0xffff, v5  }
0x7d: {  	v5 =	vld [tilespmem:s18+$0x10];
	[tilespmem:s16+$0x0] =	vst v6  }
0x7e: {  	v6 =	vld [tilespmem:s18+$0x20]  }
0x7f: {  	s11 =	sadd.s32 $0x480, s11;
	s21 =	sadd.s32 $0x480, s21;
	v8 =	vld [tilespmem:s18+$0x30]  }
0x80: {  	s6 =	sadd.s32 $0x480, s6;
	s7 =	sadd.s32 $0x480, s7;
	s9 =	sadd.s32 $0x90, s9;
	v7 =	vld.idx.msk [tilespmem:v7+s15+$0x0], $0xffff  }
0x81: {  	s8 =	sadd.s32 $0x480, s8;
	s20 =	sadd.s32 $0x480, s20;
	s19 =	sadd.s32 $0x10, s19;
	v9 =	vld [tilespmem:s18+$0xFFFFFFC0]  }
0x82: {  	s3 =	sand.u32 $0x3FFFFC00, s21;
	s4 =	sand.u32 $0x3FFFFC00, s8;
	s2 =	sand.u32 $0x3FFFFC00, s11;
	v10 =	vld.idx.msk [tilespmem:v1+s15+$0x0], $0xffff  }
0x83: {  	s12 =	sand.u32 $0x3FFFFC00, s6;
	s17 =	sand.u32 $0x3FFFFC00, s20;
	s5 =	sand.u32 $0x3FFFFC00, s7;
	v11 =	vld.idx.msk [tilespmem:v2+s15+$0x0], $0xffff  }
0x84: {  	s17 =	sadd.s32 s17, s19;
	s14 =	sadd.s32 $0xFFFFFFE0, s9;
	v1 =	vld.idx.msk [tilespmem:v4+s15+$0x0], $0xffff  }
.Ltmp2:
0x85: {  	s3 =	sadd.s32 s3, s19;
	s16 =	sadd.s32 s2, s19;
	v2 =	vld.idx.msk [tilespmem:v3+s15+$0x0], $0xffff;
	(pc) =	sbr.rel @p0 .LBB2_9-.Ltmp2, $4  }
0x86: {  	s12 =	sadd.s32 s12, s19;
	s22 =	sadd.s32 s4, s19;
	s2 =	sadd.s32 s5, s19;
	v4 =	vld.idx.msk [tilespmem:v5+s15+$0x0], $0xffff;
	[tilespmem:s17+$0x0] =	vst v7  }
0x87: {  	s24 =	sadd.s32 $0x300, s11;
	s5 =	sadd.s32 $0x280, s11;
	s17 =	sadd.s32 $0xFFFFFFF0, s9;
	v3 =	vld.idx.msk [tilespmem:v6+s15+$0x0], $0xffff  }
0x88: {  	s25 =	sadd.s32 $0x380, s11;
	s4 =	sand.u32 $0x70, s14;
	[tilespmem:s3+$0x10] =	vst v10;
	s3 =	sand.u32 $0x70, s17;
	v5 =	vld.idx.msk [tilespmem:v8+s15+$0x0], $0xffff  }
0x89: {  	s14 =	sand.u32 $0x3C00, s5;
	s18 =	sadd.s32 $0x90, s18;
	v6 =	vld.idx.msk [tilespmem:v9+s15+$0x0], $0xffff;
	[tilespmem:s22+$0x20] =	vst v11;
	s22 =	sand.u32 $0x3C00, s24  }
0x8a: {  	_ = 	snop  }
0x8b: {  	s0 =	sadd.s32 $0x1, s0  }
0x8c: {  	[tilespmem:s2+$0x30] =	vst v1;
	s20 =	sadd.s32 s14, s1;
	s5 =	sand.u32 $0x3C00, s25;
	p0 =	sne.s32 s0, $0x18  }
.Ltmp3:
0x8d: {  	[tilespmem:s12+$0x40] =	vst v2;
	s21 =	sadd.s32 s22, s1;
	s2 =	sadd.s32 s4, s20;
	(pc) =	sbr.rel @p0 .LBB2_8-.Ltmp3, $4  }
0x8e: {  	s24 =	sand.u32 $0x70, s9;
	s22 =	sadd.s32 s3, s21;
	s25 =	sadd.s32 s5, s1;
	[tilespmem:v0+s2+$0x0 ss:$0x1] =	vst.idx.msk $0xffff, v4  }
0x8f: {  	[tilespmem:v0+s22+$0x0 ss:$0x1] =	vst.idx.msk $0xffff, v3;
	s1 =	sadd.s32 s24, s25  }
0x90: {  	[tilespmem:v0+s1+$0x0 ss:$0x1] =	vst.idx.msk $0xffff, v5  }
0x91: {  	s31 =	sadd.s32 $0x1, s31;
	s30 =	sadd.s32 $0x240, s30;
	[tilespmem:s16+$0x0] =	vst v6  }
0x92: {  	s0 =	smulhi.u32 $0x2AAAAAAB, s26;
	_ =	sdelay $0x1  }
0x93: {  	s0 =	sshrl.u32 s0, $0x1  }
0x94: {  	s0 =	smul.u32 $0xC, s0;
	_ =	sdelay $0x1  }
0x95: {  	s23 =	sadd.s32 $0x1, s23;
	s0 =	ssub.s32 s26, s0  }
0x96: {  	p0 =	sne.s32 s23, $0xC;
	s0 =	smul.u32 $0x5A000, s0  }
.Ltmp4:
0x97: {  	_ = 	snop;
	(pc) =	sbr.rel @p0 .LBB2_3-.Ltmp4, $4  }
0x98: {  	s0 =	sadd.s32 s0, s28  }
0x99: {  	s5 =	rddreg [dreg:$0x1];
	s24 =	simm.s32 $0x0;
	s0 =	sshrl.u32 s0, $0x3  }
0x9a: {  	s1 =	simm.s32 $0x7E00;
	s4 =	rddreg [dreg:$0xa];
	s0 =	sadd.s32 s5, s0  }
0x9b: {  	[hbm4b:s0+s24] =	stream.linear.scatter [tilespmem:s1], [sflag:$0x4], $0x3C00, $0x38;
	[tilespmem:$0xBA00] =	vst v63  }
0x9c: {  	s4 =	sadd.s32 $0x1, s4  }
0x9d: {  	p0 =	sne.s32 s4, $0x3  }
.Ltmp5:
0x9e: {  	_ = 	snop;
	(pc) =	sbr.rel @p0 .LBB2_2-.Ltmp5, $1  }
0x9f: {  	_ =	sdelay $0x3  }
0xa0: {  	s0 =	simm.s32 $0x3  }
0xa1: {  	_ =	swait.ge [sflag:s0], $0x3C00  }
0xa2: {  	[sflag:s0] =	ssyncset.done $0x0  }
0xa3: {  	s1 =	simm.s32 $0x4;
	[sflag:s0] =	ssyncadd.s32 $0xFFFFC400  }
0xa4: {  	_ =	swait.ge [sflag:s1], $0x3C00  }
0xa5: {  	s2 =	rddreg [dreg:$0x9]  }
0xa6: {  	s31 =	rddreg [dreg:$0x8];
	s2 =	sadd.s32 $0x1, s2  }
0xa7: {  	p0 =	sne.s32 s2, s31  }
.Ltmp6:
0xa8: {  	_ = 	snop;
	(pc) =	sbr.rel @p0 .LBB2_1-.Ltmp6, $3  }
0xa9: {  	_ =	sdelay $0x1  }
0xaa: {  	[sflag:s1] =	ssyncset.done $0x0  }
0xab: {  	[sflag:s1] =	ssyncadd.s32 $0xFFFFC400  }
0xac: {  	_ =	sfence.sel $0x180000  }
0xad: {  	[bflag:$0x0] =	sbarrier.arrive $0xFFFF  }
0xae: {  	_ =	strace $0x90000047  }
0xaf: {  	s0 =	stileid.u32;
	[bflag:$0x2] =	sbarrier.arrive $0xFFFF  }
0xb0: {  	p0 =	sne.s32 s0, $0x0;
	s0 =	rddreg [dreg:$0x2]  }
0xb1: {  	s0 =	sadd.s32 @!p0 $0x100000, s0  }
0xb2: {  	[sflag:s0] =	ssyncadd.tile.s32 @!p0 $0x1;
	_ =	shalt  }
.Lfunc_end2:
_tile_overlayer_lowered:
.L_overlay_start_2:
0xb3: {  	(tag) =	ssettag $0x2  }
0xb4: {  	s0 =	rddreg [dreg:$0x0];
	s2 =	stileid.u32  }
0xb5: {  	s1 =	rddreg [dreg:$0x1];
	p0 =	sne.s32 s2, $0x0  }
0xb6: {  	s3 =	rddreg [dreg:$0x2];
	[bflag:$0x3] =	sbarrier.arrive $0xFFFF;
	s2 =	simm.s32 @!p0 $0x1C05  }
0xb7: {  	[timem:s3], [sflag:s2] =	dma.local @!p0 [hbm:s0], s1  }
0xb8: {  	s0 =	simm.s32 @!p0 $0x5  }
0xb9: {  	_ =	swait.ge @!p0 [sflag:s0], s1  }
0xba: {  	s1 =	ssub.s32 @!p0 $0x0, s1;
	[sflag:s0] =	ssyncset.done @!p0 $0x0  }
0xbb: {  	[sflag:s0] =	ssyncadd.s32 @!p0 s1  }
0xbc: {  	[bflag:$0x3] =	sbarrier.arrive $0xFFFF  }
0xbd: {  	_ =	shalt  }

</sc_bundles>
